<compile_context>
chip_gen: v7x
topology: tpu7x:2x2x1
jax: 0.10.2.dev20260603
libtpu: 0.0.44.dev20260713+nightly
codegen_flags: <defaults>
</compile_context>

<pallas_src>
import jax
import jax.numpy as jnp
from jax import lax
from jax.experimental import pallas as pl
from jax.experimental.pallas import tpu as pltpu
from jax.experimental.pallas import tpu_sc as plsc

BATCH = 4
SEQ = 2048
D = 64
DP = 128
VOCAB = 100000
NTOK = BATCH * SEQ

NC = 2
NS = 16
L = 16
NW = NC * NS
B_W = NTOK // NW
SEQ_W = SEQ // B_W

VBLK = 128
NFULL = VOCAB // VBLK
VREM = VOCAB - NFULL * VBLK
NBLK = NFULL + 1
BLK_PER_W = -(-NBLK // NW)
NCHUNK = NTOK // L
SCAP = 256

_PARAMS = pltpu.CompilerParams(use_tc_tiling_on_sc=True, needs_layout_passes=False)
_MESH = plsc.VectorSubcoreMesh(core_axis_name="c", subcore_axis_name="s")


def _wid():
    return lax.axis_index("s") * NC + lax.axis_index("c")


def _extract_body(x_hbm, tokT_hbm, tail_hbm, inter_hbm,
                  x_v, myv_v, myp_v, blk2_v, tail_v, stag_v, idx_v, pndv_v, pndp_v, sem, psem):
    wid = _wid()
    iota = lax.iota(jnp.int32, L)

    pltpu.sync_copy(x_hbm, x_v)

    def _fill(r, carry):
        for c in range(DP // L):
            idx_v[r, pl.ds(c * L, L)] = jnp.full((L,), -1, jnp.int32)
        return carry

    lax.fori_loop(0, NTOK // DP, _fill, 0)

    def _count_of(csum):
        return jnp.squeeze(lax.slice(csum, (L - 1,), (L,)))

    def _scan(h, cnt):
        for u in range(2):
            i = h * 2 + u
            v16 = x_v[i >> 7, pl.ds((i & 127) * L, L)]
            mask = lax.rem(lax.shift_right_logical(v16, 7), NW) == wid
            csum = plsc.cumsum(mask.astype(jnp.int32))
            slot = cnt + csum - 1
            plsc.store_scatter(myv_v, [slot], v16, mask=mask)
            plsc.store_scatter(myp_v, [slot], i * L + iota, mask=mask)
            cnt = cnt + _count_of(csum)
        return cnt

    mycnt = lax.fori_loop(0, NCHUNK // 2, _scan, 0)
    myrounds = lax.div(mycnt + (L - 1), L)

    pltpu.async_copy(tokT_hbm.at[:, pl.ds(wid * VBLK, VBLK)], blk2_v.at[0], psem)

    def _blk(bi, ptr):
        j = wid + bi * NW
        is_tail = j == NFULL
        par = lax.rem(bi, 2)
        blk_v = blk2_v.at[par]

        @pl.when(j < NFULL)
        def _fetch_wait():
            pltpu.make_async_copy(
                tokT_hbm.at[:, pl.ds(0, VBLK)], blk2_v.at[par], psem
            ).wait()

        @pl.when(j + NW < NFULL)
        def _prefetch_next():
            pltpu.async_copy(
                tokT_hbm.at[:, pl.ds((j + NW) * VBLK, VBLK)],
                blk2_v.at[lax.rem(bi + 1, 2)],
                psem,
            )

        @pl.when(is_tail)
        def _fetch_tail():
            pltpu.sync_copy(tail_hbm, tail_v)

        def _collect(r, pcnt):
            mv16 = myv_v[pl.ds(r * L, L)]
            mp16 = myp_v[pl.ds(r * L, L)]
            live = (r * L + iota) < mycnt
            mask = (lax.shift_right_logical(mv16, 7) == j) & live
            csum = plsc.cumsum(mask.astype(jnp.int32))
            slot = pcnt + csum - 1
            plsc.store_scatter(pndv_v, [slot], lax.rem(mv16, VBLK), mask=mask)
            plsc.store_scatter(pndp_v, [slot], mp16, mask=mask)
            return pcnt + _count_of(csum)

        pcnt = lax.fori_loop(0, myrounds, _collect, 0)
        erounds = lax.div(pcnt + (L - 1), L)

        def _emit(e, ptr):
            vloc = pndv_v[pl.ds(e * L, L)]
            pos = pndp_v[pl.ds(e * L, L)]
            emit_mask = (e * L + iota) < pcnt
            c = jnp.minimum(pcnt - e * L, L)
            row = ptr + iota
            plsc.store_scatter(
                idx_v,
                [lax.shift_right_logical(row, 7), lax.rem(row, DP)],
                pos,
                mask=emit_mask,
            )
            srow = lax.rem(row, SCAP)

            def _dcol(k, carry):
                dd = lax.rem(iota + k, L)
                for cc in range(D // L):
                    dvec = dd + cc * L

                    @pl.when(jnp.logical_not(is_tail))
                    def _from_blk():
                        val = plsc.load_gather(blk_v, [dvec, vloc], mask=emit_mask)
                        plsc.store_scatter(stag_v, [srow, dvec], val, mask=emit_mask)

                    @pl.when(is_tail)
                    def _from_tail():
                        val = plsc.load_gather(tail_v, [vloc, dvec], mask=emit_mask)
                        plsc.store_scatter(stag_v, [srow, dvec], val, mask=emit_mask)

                return carry

            lax.fori_loop(0, L, _dcol, 0)
            new_ptr = ptr + c

            @pl.when(lax.shift_right_logical(new_ptr, 7) > lax.shift_right_logical(ptr, 7))
            def _flush():
                cid = lax.shift_right_logical(ptr, 7)
                half = lax.rem(cid, 2) * (SCAP // 2)
                pltpu.async_copy(
                    stag_v.at[pl.ds(half, SCAP // 2)],
                    inter_hbm.at[plsc.Indices(idx_v.at[cid], ignored_value=-1)],
                    sem,
                ).wait()

            return new_ptr

        return lax.fori_loop(0, erounds, _emit, ptr)

    ptr = lax.fori_loop(0, BLK_PER_W, _blk, 0)

    @pl.when(lax.rem(ptr, DP) > 0)
    def _last():
        cid = lax.shift_right_logical(ptr, 7)
        half = lax.rem(cid, 2) * (SCAP // 2)
        pltpu.async_copy(
            stag_v.at[pl.ds(half, SCAP // 2)],
            inter_hbm.at[plsc.Indices(idx_v.at[cid], ignored_value=-1)],
            sem,
        ).wait()


def _posadd_body(inter_hbm, pos_hbm, out_hbm, in_v, pos_v, out_v, sem):
    wid = _wid()
    b = wid // SEQ_W
    s0 = (wid % SEQ_W) * B_W
    iota = lax.iota(jnp.int32, L)
    pltpu.sync_copy(inter_hbm.at[pl.ds(wid * B_W, B_W)], in_v)
    pltpu.sync_copy(pos_hbm.at[:, pl.ds(s0, B_W)], pos_v)

    def _grp(g, carry):
        t16 = g * L + iota

        def _k(k, carry2):
            dd = lax.rem(iota + k, L)
            for cc in range(D // L):
                dvec = dd + cc * L
                val = plsc.load_gather(in_v, [t16, dvec])
                pval = plsc.load_gather(pos_v, [dvec, t16])
                plsc.store_scatter(out_v, [dvec, t16], val + pval)
            return carry2

        return lax.fori_loop(0, L, _k, carry)

    lax.fori_loop(0, B_W // L, _grp, 0)
    pltpu.sync_copy(out_v, out_hbm.at[b, :, pl.ds(s0, B_W)])


def kernel(x, token_table, pos_table):
    tokT = token_table.T
    posT = pos_table.T
    tail_pad = jnp.pad(token_table[NFULL * VBLK :, :], ((0, 0), (0, DP - D)))
    inter = pl.kernel(
        _extract_body,
        mesh=_MESH,
        out_type=jax.ShapeDtypeStruct((NTOK, DP), jnp.float32),
        scratch_types=[
            pltpu.VMEM((BATCH, SEQ), jnp.int32),
            pltpu.VMEM((NTOK,), jnp.int32),
            pltpu.VMEM((NTOK,), jnp.int32),
            pltpu.VMEM((2, D, VBLK), jnp.float32),
            pltpu.VMEM((VREM, DP), jnp.float32),
            pltpu.VMEM((SCAP, DP), jnp.float32),
            pltpu.VMEM((NTOK // DP, DP), jnp.int32),
            pltpu.VMEM((NTOK + L,), jnp.int32),
            pltpu.VMEM((NTOK + L,), jnp.int32),
            pltpu.SemaphoreType.DMA,
            pltpu.SemaphoreType.DMA,
        ],
        compiler_params=_PARAMS,
    )(x, tokT, tail_pad)
    outT = pl.kernel(
        _posadd_body,
        mesh=_MESH,
        out_type=jax.ShapeDtypeStruct((BATCH, D, SEQ), jnp.float32),
        scratch_types=[
            pltpu.VMEM((B_W, DP), jnp.float32),
            pltpu.VMEM((D, B_W), jnp.float32),
            pltpu.VMEM((D, B_W), jnp.float32),
            pltpu.SemaphoreType.DMA,
        ],
        compiler_params=_PARAMS,
    )(inter, posT)
    return outT.transpose(0, 2, 1)

# --- scband reference (transcript-rebuilt; emitter-appended) ---
"""Pipeline reference for scband-text-preprocessor-68994354643165 (READ-ONLY COPY).

The authoritative reference and input builder live on the scoring server;
editing this copy changes nothing except your own understanding.
"""

import jax, jax.numpy as jnp
import numpy as np

VOCAB = 100000
EMBED_DIM = 64
MAX_SEQ = 2048
BATCH = 4
SEQ = 2048

def setup_inputs(seed: int = 0) -> dict:
    key = jax.random.key(seed)
    k1, k2, k3 = jax.random.split(key, 3)
    x = jax.random.randint(k1, (BATCH, SEQ), 0, VOCAB, dtype=jnp.int64 if jax.config.jax_enable_x64 else jnp.int32).astype(jnp.int32)
    token_table = jax.random.normal(k2, (VOCAB, EMBED_DIM), dtype=jnp.float32) * 0.02
    pos_table = jax.random.normal(k3, (MAX_SEQ, EMBED_DIM), dtype=jnp.float32) * 0.02
    return {"x": x, "token_table": token_table, "pos_table": pos_table}

def reference(x, token_table, pos_table):
    # token embedding lookup: gather rows from the table
    token_emb = jnp.take(token_table, x, axis=0)  # [B, S, D]
    batch_size, seq_len = x.shape
    positions = jnp.arange(seq_len)[None, :]  # [1, S]
    positions = jnp.broadcast_to(positions, (batch_size, seq_len))  # [B, S]
    pos_emb = jnp.take(pos_table, positions, axis=0)  # [B, S, D]
    embeddings = token_emb + pos_emb
    # dropout is identity in inference mode
    return embeddings

if __name__ == "__main__":
    import jax
    _d = setup_inputs()
    print(jax.jit(kernel)(*tuple(_d.values())))

</pallas_src>

<mosaic_0001>
#map = affine_map<(d0, d1) -> (0, 0)>
module attributes {stable_mosaic.version = 14 : i64} {
  func.func @_extract_body(%arg0: i32, %arg1: i32, %arg2: memref<4x2048xi32, #tpu.memory_space<hbm>>, %arg3: memref<64x100000xf32, #tpu.memory_space<hbm>>, %arg4: memref<32x128xf32, #tpu.memory_space<hbm>>, %arg5: memref<8192x128xf32, #tpu.memory_space<hbm>>, %arg6: memref<4x2048xi32, #tpu.memory_space<vmem>>, %arg7: memref<8192xi32, #tpu.memory_space<vmem>>, %arg8: memref<8192xi32, #tpu.memory_space<vmem>>, %arg9: memref<2x64x128xf32, #tpu.memory_space<vmem>>, %arg10: memref<32x128xf32, #tpu.memory_space<vmem>>, %arg11: memref<256x128xf32, #tpu.memory_space<vmem>>, %arg12: memref<64x128xi32, #tpu.memory_space<vmem>>, %arg13: memref<8208xi32, #tpu.memory_space<vmem>>, %arg14: memref<8208xi32, #tpu.memory_space<vmem>>, %arg15: memref<!tpu.dma_semaphore, #tpu.memory_space<semaphore_mem>>, %arg16: memref<!tpu.dma_semaphore, #tpu.memory_space<semaphore_mem>>) attributes {dimension_semantics = [#tpu.dimension_semantics<core_parallel>, #tpu.dimension_semantics<subcore_parallel>], iteration_bounds = array<i64: 2, 16>, scalar_prefetch = 0 : i64, scratch_operands = 11 : i64, tpu.core_type = #tpu.core_type<sc_vector_subcore>, window_params = [{transform_indices = #map}, {transform_indices = #map}, {transform_indices = #map}, {transform_indices = #map}]} {
    %mul3A = arith.constant 2 : i32
    %mul3A_0 = arith.muli %arg1, %mul3A : i32
    %add3A = arith.addi %mul3A_0, %arg0 : i32
    %iota3A = tpu.iota {dimensions = array<i32: 0>} : vector<16xi32>
    "tpu.region"() ({
      %run_scoped3A = tpu.sem_alloc : memref<!tpu.dma_semaphore, #tpu.memory_space<semaphore_mem>>
      tpu.enqueue_dma source(%arg2 : memref<4x2048xi32, #tpu.memory_space<hbm>>) target(%arg6 : memref<4x2048xi32, #tpu.memory_space<vmem>>) target_semaphore(%run_scoped3A : memref<!tpu.dma_semaphore, #tpu.memory_space<semaphore_mem>>)
      tpu.wait_dma2 semaphore(%run_scoped3A : memref<!tpu.dma_semaphore, #tpu.memory_space<semaphore_mem>>) src(%arg2 : memref<4x2048xi32, #tpu.memory_space<hbm>>) dst(%arg6 : memref<4x2048xi32, #tpu.memory_space<vmem>>)
      tpu.yield
    }) : () -> ()
    %scan3A = arith.constant 0 : i32
    %scan3A_1 = arith.constant 0 : i32
    %scan3A_2 = arith.constant 64 : i32
    %scan3A_3 = arith.addi %scan3A_1, %scan3A_2 : i32
    %scan3A_4 = arith.constant 1 : i32
    scf.for %scan3A_40 = %scan3A_1 to %scan3A_3 step %scan3A_4  : i32 {
      %broadcast_in_dim3A = arith.constant -1 : i32
      %broadcast_in_dim3A_41 = vector.broadcast %broadcast_in_dim3A : i32 to vector<16xi32>
      %swap3A = arith.index_cast %scan3A_40 : i32 to index
      %swap3A_42 = arith.constant 0 : index
      %swap3A_43 = tpu.vector_load %arg12[%swap3A, %swap3A_42] {strides = array<i32>} : memref<64x128xi32, #tpu.memory_space<vmem>>, vector<16xi32>,
      tpu.vector_store %arg12[%swap3A, %swap3A_42], %broadcast_in_dim3A_41 {strides = array<i32>} : memref<64x128xi32, #tpu.memory_space<vmem>>, vector<16xi32>,
      %broadcast_in_dim3A_44 = arith.constant -1 : i32
      %broadcast_in_dim3A_45 = vector.broadcast %broadcast_in_dim3A_44 : i32 to vector<16xi32>
      %swap3A_46 = arith.index_cast %scan3A_40 : i32 to index
      %swap3A_47 = arith.constant 16 : index
      %swap3A_48 = tpu.vector_load %arg12[%swap3A_46, %swap3A_47] {strides = array<i32>} : memref<64x128xi32, #tpu.memory_space<vmem>>, vector<16xi32>,
      tpu.vector_store %arg12[%swap3A_46, %swap3A_47], %broadcast_in_dim3A_45 {strides = array<i32>} : memref<64x128xi32, #tpu.memory_space<vmem>>, vector<16xi32>,
      %broadcast_in_dim3A_49 = arith.constant -1 : i32
      %broadcast_in_dim3A_50 = vector.broadcast %broadcast_in_dim3A_49 : i32 to vector<16xi32>
      %swap3A_51 = arith.index_cast %scan3A_40 : i32 to index
      %swap3A_52 = arith.constant 32 : index
      %swap3A_53 = tpu.vector_load %arg12[%swap3A_51, %swap3A_52] {strides = array<i32>} : memref<64x128xi32, #tpu.memory_space<vmem>>, vector<16xi32>,
      tpu.vector_store %arg12[%swap3A_51, %swap3A_52], %broadcast_in_dim3A_50 {strides = array<i32>} : memref<64x128xi32, #tpu.memory_space<vmem>>, vector<16xi32>,
      %broadcast_in_dim3A_54 = arith.constant -1 : i32
      %broadcast_in_dim3A_55 = vector.broadcast %broadcast_in_dim3A_54 : i32 to vector<16xi32>
      %swap3A_56 = arith.index_cast %scan3A_40 : i32 to index
      %swap3A_57 = arith.constant 48 : index
      %swap3A_58 = tpu.vector_load %arg12[%swap3A_56, %swap3A_57] {strides = array<i32>} : memref<64x128xi32, #tpu.memory_space<vmem>>, vector<16xi32>,
      tpu.vector_store %arg12[%swap3A_56, %swap3A_57], %broadcast_in_dim3A_55 {strides = array<i32>} : memref<64x128xi32, #tpu.memory_space<vmem>>, vector<16xi32>,
      %broadcast_in_dim3A_59 = arith.constant -1 : i32
      %broadcast_in_dim3A_60 = vector.broadcast %broadcast_in_dim3A_59 : i32 to vector<16xi32>
      %swap3A_61 = arith.index_cast %scan3A_40 : i32 to index
      %swap3A_62 = arith.constant 64 : index
      %swap3A_63 = tpu.vector_load %arg12[%swap3A_61, %swap3A_62] {strides = array<i32>} : memref<64x128xi32, #tpu.memory_space<vmem>>, vector<16xi32>,
      tpu.vector_store %arg12[%swap3A_61, %swap3A_62], %broadcast_in_dim3A_60 {strides = array<i32>} : memref<64x128xi32, #tpu.memory_space<vmem>>, vector<16xi32>,
      %broadcast_in_dim3A_64 = arith.constant -1 : i32
      %broadcast_in_dim3A_65 = vector.broadcast %broadcast_in_dim3A_64 : i32 to vector<16xi32>
      %swap3A_66 = arith.index_cast %scan3A_40 : i32 to index
      %swap3A_67 = arith.constant 80 : index
      %swap3A_68 = tpu.vector_load %arg12[%swap3A_66, %swap3A_67] {strides = array<i32>} : memref<64x128xi32, #tpu.memory_space<vmem>>, vector<16xi32>,
      tpu.vector_store %arg12[%swap3A_66, %swap3A_67], %broadcast_in_dim3A_65 {strides = array<i32>} : memref<64x128xi32, #tpu.memory_space<vmem>>, vector<16xi32>,
      %broadcast_in_dim3A_69 = arith.constant -1 : i32
      %broadcast_in_dim3A_70 = vector.broadcast %broadcast_in_dim3A_69 : i32 to vector<16xi32>
      %swap3A_71 = arith.index_cast %scan3A_40 : i32 to index
      %swap3A_72 = arith.constant 96 : index
      %swap3A_73 = tpu.vector_load %arg12[%swap3A_71, %swap3A_72] {strides = array<i32>} : memref<64x128xi32, #tpu.memory_space<vmem>>, vector<16xi32>,
      tpu.vector_store %arg12[%swap3A_71, %swap3A_72], %broadcast_in_dim3A_70 {strides = array<i32>} : memref<64x128xi32, #tpu.memory_space<vmem>>, vector<16xi32>,
      %broadcast_in_dim3A_74 = arith.constant -1 : i32
      %broadcast_in_dim3A_75 = vector.broadcast %broadcast_in_dim3A_74 : i32 to vector<16xi32>
      %swap3A_76 = arith.index_cast %scan3A_40 : i32 to index
      %swap3A_77 = arith.constant 112 : index
      %swap3A_78 = tpu.vector_load %arg12[%swap3A_76, %swap3A_77] {strides = array<i32>} : memref<64x128xi32, #tpu.memory_space<vmem>>, vector<16xi32>,
      tpu.vector_store %arg12[%swap3A_76, %swap3A_77], %broadcast_in_dim3A_75 {strides = array<i32>} : memref<64x128xi32, #tpu.memory_space<vmem>>, vector<16xi32>,
    }
    %scan3A_5 = arith.constant 64 : i32
    %scan3A_6 = arith.constant 0 : i32
    %scan3A_7 = arith.constant 0 : i32
    %scan3A_8 = arith.constant 256 : i32
    %scan3A_9 = arith.addi %scan3A_7, %scan3A_8 : i32
    %scan3A_10 = arith.constant 1 : i32
    %scan3A_11 = scf.for %scan3A_40 = %scan3A_7 to %scan3A_9 step %scan3A_10 iter_args(%scan3A_41 = %scan3A_6) -> (i32)  : i32 {
      %mul3A_42 = arith.constant 2 : i32
      %mul3A_43 = arith.muli %scan3A_40, %mul3A_42 : i32
      %add3A_44 = arith.constant 0 : i32
      %add3A_45 = arith.addi %mul3A_43, %add3A_44 : i32
      %shift_right_arithmetic3A = arith.constant 7 : i32
      %shift_right_arithmetic3A_46 = arith.shrsi %add3A_45, %shift_right_arithmetic3A : i32
      %and3A = arith.constant 127 : i32
      %and3A_47 = arith.andi %add3A_45, %and3A : i32
      %mul3A_48 = arith.constant 16 : i32
      %mul3A_49 = arith.muli %and3A_47, %mul3A_48 : i32
      %get3A = arith.index_cast %shift_right_arithmetic3A_46 : i32 to index
      %get3A_50 = arith.index_cast %mul3A_49 : i32 to index
      %get3A_51 = tpu.vector_load %arg6[%get3A, %get3A_50] {strides = array<i32>} : memref<4x2048xi32, #tpu.memory_space<vmem>>, vector<16xi32>,
      %shift_right_logical3A = arith.constant 7 : i32
      %shift_right_logical3A_52 = vector.broadcast %shift_right_logical3A : i32 to vector<16xi32>
      %shift_right_logical3A_53 = arith.shrui %get3A_51, %shift_right_logical3A_52 : vector<16xi32>
      %rem3A_54 = arith.constant 32 : i32
      %rem3A_55 = vector.broadcast %rem3A_54 : i32 to vector<16xi32>
      %rem3A_56 = arith.remsi %shift_right_logical3A_53, %rem3A_55 : vector<16xi32>
      %eq3A = vector.broadcast %add3A : i32 to vector<16xi32>
      %eq3A_57 = arith.cmpi eq, %rem3A_56, %eq3A : vector<16xi32>
      %convert_element_type3A_58 = arith.extui %eq3A_57 : vector<16xi1> to vector<16xi32>
      %broadcast_in_dim3A = arith.constant true
      %broadcast_in_dim3A_59 = vector.broadcast %broadcast_in_dim3A : i1 to vector<16xi1>
      %masked_cumsum3A = tpu.scan <sum>, %convert_element_type3A_58 masked %broadcast_in_dim3A_59 : vector<16xi32>, vector<16xi1> -> vector<16xi32>
      %add3A_60 = vector.broadcast %scan3A_41 : i32 to vector<16xi32>
      %add3A_61 = arith.addi %add3A_60, %masked_cumsum3A : vector<16xi32>
      %sub3A = arith.constant 1 : i32
      %sub3A_62 = vector.broadcast %sub3A : i32 to vector<16xi32>
      %sub3A_63 = arith.subi %add3A_61, %sub3A_62 : vector<16xi32>
      tpu.vector_store_idx %arg7[%sub3A_63], %get3A_51 masked %eq3A_57 : memref<8192xi32, #tpu.memory_space<vmem>>[vector<16xi32>], vector<16xi32>, vector<16xi1>
      %mul3A_64 = arith.constant 16 : i32
      %mul3A_65 = arith.muli %add3A_45, %mul3A_64 : i32
      %add3A_66 = vector.broadcast %mul3A_65 : i32 to vector<16xi32>
      %add3A_67 = arith.addi %add3A_66, %iota3A : vector<16xi32>
      tpu.vector_store_idx %arg8[%sub3A_63], %add3A_67 masked %eq3A_57 : memref<8192xi32, #tpu.memory_space<vmem>>[vector<16xi32>], vector<16xi32>, vector<16xi1>
      %slice3A = vector.extract_strided_slice %masked_cumsum3A {offsets = [15], sizes = [1], strides = [1]} : vector<16xi32> to vector<1xi32>
      %squeeze3A = vector.extract %slice3A[0] : i32 from vector<1xi32>
      %add3A_68 = arith.addi %scan3A_41, %squeeze3A : i32
      %mul3A_69 = arith.constant 2 : i32
      %mul3A_70 = arith.muli %scan3A_40, %mul3A_69 : i32
      %add3A_71 = arith.constant 1 : i32
      %add3A_72 = arith.addi %mul3A_70, %add3A_71 : i32
      %shift_right_arithmetic3A_73 = arith.constant 7 : i32
      %shift_right_arithmetic3A_74 = arith.shrsi %add3A_72, %shift_right_arithmetic3A_73 : i32
      %and3A_75 = arith.constant 127 : i32
      %and3A_76 = arith.andi %add3A_72, %and3A_75 : i32
      %mul3A_77 = arith.constant 16 : i32
      %mul3A_78 = arith.muli %and3A_76, %mul3A_77 : i32
      %get3A_79 = arith.index_cast %shift_right_arithmetic3A_74 : i32 to index
      %get3A_80 = arith.index_cast %mul3A_78 : i32 to index
      %get3A_81 = tpu.vector_load %arg6[%get3A_79, %get3A_80] {strides = array<i32>} : memref<4x2048xi32, #tpu.memory_space<vmem>>, vector<16xi32>,
      %shift_right_logical3A_82 = arith.constant 7 : i32
      %shift_right_logical3A_83 = vector.broadcast %shift_right_logical3A_82 : i32 to vector<16xi32>
      %shift_right_logical3A_84 = arith.shrui %get3A_81, %shift_right_logical3A_83 : vector<16xi32>
      %rem3A_85 = arith.constant 32 : i32
      %rem3A_86 = vector.broadcast %rem3A_85 : i32 to vector<16xi32>
      %rem3A_87 = arith.remsi %shift_right_logical3A_84, %rem3A_86 : vector<16xi32>
      %eq3A_88 = vector.broadcast %add3A : i32 to vector<16xi32>
      %eq3A_89 = arith.cmpi eq, %rem3A_87, %eq3A_88 : vector<16xi32>
      %convert_element_type3A_90 = arith.extui %eq3A_89 : vector<16xi1> to vector<16xi32>
      %broadcast_in_dim3A_91 = arith.constant true
      %broadcast_in_dim3A_92 = vector.broadcast %broadcast_in_dim3A_91 : i1 to vector<16xi1>
      %masked_cumsum3A_93 = tpu.scan <sum>, %convert_element_type3A_90 masked %broadcast_in_dim3A_92 : vector<16xi32>, vector<16xi1> -> vector<16xi32>
      %add3A_94 = vector.broadcast %add3A_68 : i32 to vector<16xi32>
      %add3A_95 = arith.addi %add3A_94, %masked_cumsum3A_93 : vector<16xi32>
      %sub3A_96 = arith.constant 1 : i32
      %sub3A_97 = vector.broadcast %sub3A_96 : i32 to vector<16xi32>
      %sub3A_98 = arith.subi %add3A_95, %sub3A_97 : vector<16xi32>
      tpu.vector_store_idx %arg7[%sub3A_98], %get3A_81 masked %eq3A_89 : memref<8192xi32, #tpu.memory_space<vmem>>[vector<16xi32>], vector<16xi32>, vector<16xi1>
      %mul3A_99 = arith.constant 16 : i32
      %mul3A_100 = arith.muli %add3A_72, %mul3A_99 : i32
      %add3A_101 = vector.broadcast %mul3A_100 : i32 to vector<16xi32>
      %add3A_102 = arith.addi %add3A_101, %iota3A : vector<16xi32>
      tpu.vector_store_idx %arg8[%sub3A_98], %add3A_102 masked %eq3A_89 : memref<8192xi32, #tpu.memory_space<vmem>>[vector<16xi32>], vector<16xi32>, vector<16xi1>
      %slice3A_103 = vector.extract_strided_slice %masked_cumsum3A_93 {offsets = [15], sizes = [1], strides = [1]} : vector<16xi32> to vector<1xi32>
      %squeeze3A_104 = vector.extract %slice3A_103[0] : i32 from vector<1xi32>
      %add3A_105 = arith.addi %add3A_68, %squeeze3A_104 : i32
      scf.yield %add3A_105 : i32
    }
    %scan3A_12 = arith.constant 256 : i32
    %add3A_13 = arith.constant 15 : i32
    %add3A_14 = arith.addi %scan3A_11, %add3A_13 : i32
    %div3A = arith.constant 16 : i32
    %div3A_15 = arith.divsi %add3A_14, %div3A : i32
    %mul3A_16 = arith.constant 128 : i32
    %mul3A_17 = arith.muli %add3A, %mul3A_16 : i32
    %dma_start3A = arith.constant 0 : i32
    %dma_start3A_18 = arith.constant 0 : i32
    %dma_start3A_19 = arith.constant 0 : i32
    %dma_start3A_20 = tpu.memref_slice %arg9[%dma_start3A, %dma_start3A_18, %dma_start3A_19] : memref<2x64x128xf32, #tpu.memory_space<vmem>> -> memref<1x64x128xf32, #tpu.memory_space<vmem>>
    %dma_start3A_21 = tpu.memref_squeeze %dma_start3A_20 : memref<1x64x128xf32, #tpu.memory_space<vmem>> -> memref<64x128xf32, #tpu.memory_space<vmem>>
    %dma_start3A_22 = arith.constant 0 : i32
    %dma_start3A_23 = tpu.memref_slice %arg3[%dma_start3A_22, %mul3A_17] : memref<64x100000xf32, #tpu.memory_space<hbm>> -> memref<64x128xf32, #tpu.memory_space<hbm>>
    %dma_start3A_24 = arith.constant 0 : i32
    %dma_start3A_25 = arith.constant 0 : i32
    %dma_start3A_26 = tpu.memref_slice %arg9[%dma_start3A, %dma_start3A_24, %dma_start3A_25] : memref<2x64x128xf32, #tpu.memory_space<vmem>> -> memref<1x64x128xf32, #tpu.memory_space<vmem>>
    %dma_start3A_27 = tpu.memref_squeeze %dma_start3A_26 : memref<1x64x128xf32, #tpu.memory_space<vmem>> -> memref<64x128xf32, #tpu.memory_space<vmem>>
    %dma_start3A_28 = arith.constant 0 : i32
    %dma_start3A_29 = tpu.memref_slice %arg3[%dma_start3A_28, %mul3A_17] : memref<64x100000xf32, #tpu.memory_space<hbm>> -> memref<64x128xf32, #tpu.memory_space<hbm>>
    tpu.enqueue_dma source(%dma_start3A_29 : memref<64x128xf32, #tpu.memory_space<hbm>>) target(%dma_start3A_27 : memref<64x128xf32, #tpu.memory_space<vmem>>) target_semaphore(%arg16 : memref<!tpu.dma_semaphore, #tpu.memory_space<semaphore_mem>>)
    %scan3A_30 = arith.constant 0 : i32
    %scan3A_31 = arith.constant 0 : i32
    %scan3A_32 = arith.constant 25 : i32
    %scan3A_33 = arith.addi %scan3A_31, %scan3A_32 : i32
    %scan3A_34 = arith.constant 1 : i32
    %scan3A_35 = scf.for %scan3A_40 = %scan3A_31 to %scan3A_33 step %scan3A_34 iter_args(%scan3A_41 = %scan3A_30) -> (i32)  : i32 {
      %mul3A_42 = arith.constant 32 : i32
      %mul3A_43 = arith.muli %scan3A_40, %mul3A_42 : i32
      %add3A_44 = arith.addi %add3A, %mul3A_43 : i32
      %eq3A = arith.constant 781 : i32
      %eq3A_45 = arith.cmpi eq, %add3A_44, %eq3A : i32
      %rem3A_46 = arith.constant 2 : i32
      %rem3A_47 = arith.remsi %scan3A_40, %rem3A_46 : i32
      %lt3A = arith.constant 781 : i32
      %lt3A_48 = arith.cmpi slt, %add3A_44, %lt3A : i32
      %convert_element_type3A_49 = arith.extui %lt3A_48 : i1 to i32
      %cond3A_50 = arith.constant 0 : i32
      %cond3A_51 = arith.cmpi ne, %convert_element_type3A_49, %cond3A_50 : i32
      scf.if %cond3A_51 {
        %dma_wait3A = arith.constant 0 : i32
        %dma_wait3A_88 = arith.constant 0 : i32
        %dma_wait3A_89 = tpu.memref_slice %arg9[%rem3A_47, %dma_wait3A, %dma_wait3A_88] : memref<2x64x128xf32, #tpu.memory_space<vmem>> -> memref<1x64x128xf32, #tpu.memory_space<vmem>>
        %dma_wait3A_90 = tpu.memref_squeeze %dma_wait3A_89 : memref<1x64x128xf32, #tpu.memory_space<vmem>> -> memref<64x128xf32, #tpu.memory_space<vmem>>
        %dma_wait3A_91 = arith.constant 0 : i32
        %dma_wait3A_92 = arith.constant 0 : i32
        %dma_wait3A_93 = tpu.memref_slice %arg3[%dma_wait3A_91, %dma_wait3A_92] : memref<64x100000xf32, #tpu.memory_space<hbm>> -> memref<64x128xf32, #tpu.memory_space<hbm>>
        %dma_wait3A_94 = arith.constant 0 : i32
        %dma_wait3A_95 = arith.constant 0 : i32
        %dma_wait3A_96 = tpu.memref_slice %arg9[%rem3A_47, %dma_wait3A_94, %dma_wait3A_95] : memref<2x64x128xf32, #tpu.memory_space<vmem>> -> memref<1x64x128xf32, #tpu.memory_space<vmem>>
        %dma_wait3A_97 = tpu.memref_squeeze %dma_wait3A_96 : memref<1x64x128xf32, #tpu.memory_space<vmem>> -> memref<64x128xf32, #tpu.memory_space<vmem>>
        %dma_wait3A_98 = arith.constant 0 : i32
        %dma_wait3A_99 = arith.constant 0 : i32
        %dma_wait3A_100 = tpu.memref_slice %arg3[%dma_wait3A_98, %dma_wait3A_99] : memref<64x100000xf32, #tpu.memory_space<hbm>> -> memref<64x128xf32, #tpu.memory_space<hbm>>
        tpu.wait_dma2 semaphore(%arg16 : memref<!tpu.dma_semaphore, #tpu.memory_space<semaphore_mem>>) src(%dma_wait3A_100 : memref<64x128xf32, #tpu.memory_space<hbm>>) dst(%dma_wait3A_97 : memref<64x128xf32, #tpu.memory_space<vmem>>)
      } else {
      }
      %add3A_52 = arith.constant 32 : i32
      %add3A_53 = arith.addi %add3A_44, %add3A_52 : i32
      %lt3A_54 = arith.constant 781 : i32
      %lt3A_55 = arith.cmpi slt, %add3A_53, %lt3A_54 : i32
      %convert_element_type3A_56 = arith.extui %lt3A_55 : i1 to i32
      %cond3A_57 = arith.constant 0 : i32
      %cond3A_58 = arith.cmpi ne, %convert_element_type3A_56, %cond3A_57 : i32
      scf.if %cond3A_58 {
        %add3A_88 = arith.constant 32 : i32
        %add3A_89 = arith.addi %add3A_44, %add3A_88 : i32
        %mul3A_90 = arith.constant 128 : i32
        %mul3A_91 = arith.muli %add3A_89, %mul3A_90 : i32
        %add3A_92 = arith.constant 1 : i32
        %add3A_93 = arith.addi %scan3A_40, %add3A_92 : i32
        %rem3A_94 = arith.constant 2 : i32
        %rem3A_95 = arith.remsi %add3A_93, %rem3A_94 : i32
        %dma_start3A_96 = arith.constant 0 : i32
        %dma_start3A_97 = arith.constant 0 : i32
        %dma_start3A_98 = tpu.memref_slice %arg9[%rem3A_95, %dma_start3A_96, %dma_start3A_97] : memref<2x64x128xf32, #tpu.memory_space<vmem>> -> memref<1x64x128xf32, #tpu.memory_space<vmem>>
        %dma_start3A_99 = tpu.memref_squeeze %dma_start3A_98 : memref<1x64x128xf32, #tpu.memory_space<vmem>> -> memref<64x128xf32, #tpu.memory_space<vmem>>
        %dma_start3A_100 = arith.constant 0 : i32
        %dma_start3A_101 = tpu.memref_slice %arg3[%dma_start3A_100, %mul3A_91] : memref<64x100000xf32, #tpu.memory_space<hbm>> -> memref<64x128xf32, #tpu.memory_space<hbm>>
        %dma_start3A_102 = arith.constant 0 : i32
        %dma_start3A_103 = arith.constant 0 : i32
        %dma_start3A_104 = tpu.memref_slice %arg9[%rem3A_95, %dma_start3A_102, %dma_start3A_103] : memref<2x64x128xf32, #tpu.memory_space<vmem>> -> memref<1x64x128xf32, #tpu.memory_space<vmem>>
        %dma_start3A_105 = tpu.memref_squeeze %dma_start3A_104 : memref<1x64x128xf32, #tpu.memory_space<vmem>> -> memref<64x128xf32, #tpu.memory_space<vmem>>
        %dma_start3A_106 = arith.constant 0 : i32
        %dma_start3A_107 = tpu.memref_slice %arg3[%dma_start3A_106, %mul3A_91] : memref<64x100000xf32, #tpu.memory_space<hbm>> -> memref<64x128xf32, #tpu.memory_space<hbm>>
        tpu.enqueue_dma source(%dma_start3A_107 : memref<64x128xf32, #tpu.memory_space<hbm>>) target(%dma_start3A_105 : memref<64x128xf32, #tpu.memory_space<vmem>>) target_semaphore(%arg16 : memref<!tpu.dma_semaphore, #tpu.memory_space<semaphore_mem>>)
      } else {
      }
      %convert_element_type3A_59 = arith.extui %eq3A_45 : i1 to i32
      %cond3A_60 = arith.constant 0 : i32
      %cond3A_61 = arith.cmpi ne, %convert_element_type3A_59, %cond3A_60 : i32
      scf.if %cond3A_61 {
        "tpu.region"() ({
          %run_scoped3A = tpu.sem_alloc : memref<!tpu.dma_semaphore, #tpu.memory_space<semaphore_mem>>
          tpu.enqueue_dma source(%arg4 : memref<32x128xf32, #tpu.memory_space<hbm>>) target(%arg10 : memref<32x128xf32, #tpu.memory_space<vmem>>) target_semaphore(%run_scoped3A : memref<!tpu.dma_semaphore, #tpu.memory_space<semaphore_mem>>)
          tpu.wait_dma2 semaphore(%run_scoped3A : memref<!tpu.dma_semaphore, #tpu.memory_space<semaphore_mem>>) src(%arg4 : memref<32x128xf32, #tpu.memory_space<hbm>>) dst(%arg10 : memref<32x128xf32, #tpu.memory_space<vmem>>)
          tpu.yield
        }) : () -> ()
      } else {
      }
      %while3A = arith.constant 0 : i32
      %while3A_62 = arith.constant 0 : i32
      %while3A_63 = arith.subi %div3A_15, %while3A : i32
      %while3A_64 = arith.addi %while3A, %while3A_63 : i32
      %while3A_65 = arith.constant 1 : i32
      %while3A_66 = arith.divsi %while3A_63, %while3A_65 : i32
      %while3A_67 = arith.muli %while3A_66, %while3A_65 : i32
      %while3A_68 = arith.addi %while3A, %while3A_67 : i32
      %while3A_69 = arith.constant 1 : i32
      %while3A_70 = scf.for %while3A_88 = %while3A to %while3A_68 step %while3A_69 iter_args(%while3A_89 = %while3A_62) -> (i32)  : i32 {
        %mul3A_90 = arith.constant 16 : i32
        %mul3A_91 = arith.muli %while3A_88, %mul3A_90 : i32
        %get3A = arith.index_cast %mul3A_91 : i32 to index
        %get3A_92 = tpu.vector_load %arg7[%get3A] {strides = array<i32>} : memref<8192xi32, #tpu.memory_space<vmem>>, vector<16xi32>,
        %mul3A_93 = arith.constant 16 : i32
        %mul3A_94 = arith.muli %while3A_88, %mul3A_93 : i32
        %get3A_95 = arith.index_cast %mul3A_94 : i32 to index
        %get3A_96 = tpu.vector_load %arg8[%get3A_95] {strides = array<i32>} : memref<8192xi32, #tpu.memory_space<vmem>>, vector<16xi32>,
        %mul3A_97 = arith.constant 16 : i32
        %mul3A_98 = arith.muli %while3A_88, %mul3A_97 : i32
        %add3A_99 = vector.broadcast %mul3A_98 : i32 to vector<16xi32>
        %add3A_100 = arith.addi %add3A_99, %iota3A : vector<16xi32>
        %lt3A_101 = vector.broadcast %scan3A_11 : i32 to vector<16xi32>
        %lt3A_102 = arith.cmpi slt, %add3A_100, %lt3A_101 : vector<16xi32>
        %shift_right_logical3A = arith.constant 7 : i32
        %shift_right_logical3A_103 = vector.broadcast %shift_right_logical3A : i32 to vector<16xi32>
        %shift_right_logical3A_104 = arith.shrui %get3A_92, %shift_right_logical3A_103 : vector<16xi32>
        %eq3A_105 = vector.broadcast %add3A_44 : i32 to vector<16xi32>
        %eq3A_106 = arith.cmpi eq, %shift_right_logical3A_104, %eq3A_105 : vector<16xi32>
        %and3A = arith.andi %eq3A_106, %lt3A_102 : vector<16xi1>
        %convert_element_type3A_107 = arith.extui %and3A : vector<16xi1> to vector<16xi32>
        %broadcast_in_dim3A = arith.constant true
        %broadcast_in_dim3A_108 = vector.broadcast %broadcast_in_dim3A : i1 to vector<16xi1>
        %masked_cumsum3A = tpu.scan <sum>, %convert_element_type3A_107 masked %broadcast_in_dim3A_108 : vector<16xi32>, vector<16xi1> -> vector<16xi32>
        %add3A_109 = vector.broadcast %while3A_89 : i32 to vector<16xi32>
        %add3A_110 = arith.addi %add3A_109, %masked_cumsum3A : vector<16xi32>
        %sub3A = arith.constant 1 : i32
        %sub3A_111 = vector.broadcast %sub3A : i32 to vector<16xi32>
        %sub3A_112 = arith.subi %add3A_110, %sub3A_111 : vector<16xi32>
        %rem3A_113 = arith.constant 128 : i32
        %rem3A_114 = vector.broadcast %rem3A_113 : i32 to vector<16xi32>
        %rem3A_115 = arith.remsi %get3A_92, %rem3A_114 : vector<16xi32>
        tpu.vector_store_idx %arg13[%sub3A_112], %rem3A_115 masked %and3A : memref<8208xi32, #tpu.memory_space<vmem>>[vector<16xi32>], vector<16xi32>, vector<16xi1>
        tpu.vector_store_idx %arg14[%sub3A_112], %get3A_96 masked %and3A : memref<8208xi32, #tpu.memory_space<vmem>>[vector<16xi32>], vector<16xi32>, vector<16xi1>
        %slice3A = vector.extract_strided_slice %masked_cumsum3A {offsets = [15], sizes = [1], strides = [1]} : vector<16xi32> to vector<1xi32>
        %squeeze3A = vector.extract %slice3A[0] : i32 from vector<1xi32>
        %add3A_116 = arith.addi %while3A_89, %squeeze3A : i32
        scf.yield %add3A_116 : i32
      }
      %while3A_71 = arith.constant 1 : i32
      %while3A_72 = scf.for %while3A_88 = %while3A_68 to %while3A_64 step %while3A_71 iter_args(%while3A_89 = %while3A_70) -> (i32)  : i32 {
        %mul3A_90 = arith.constant 16 : i32
        %mul3A_91 = arith.muli %while3A_88, %mul3A_90 : i32
        %get3A = arith.index_cast %mul3A_91 : i32 to index
        %get3A_92 = tpu.vector_load %arg7[%get3A] {strides = array<i32>} : memref<8192xi32, #tpu.memory_space<vmem>>, vector<16xi32>,
        %mul3A_93 = arith.constant 16 : i32
        %mul3A_94 = arith.muli %while3A_88, %mul3A_93 : i32
        %get3A_95 = arith.index_cast %mul3A_94 : i32 to index
        %get3A_96 = tpu.vector_load %arg8[%get3A_95] {strides = array<i32>} : memref<8192xi32, #tpu.memory_space<vmem>>, vector<16xi32>,
        %mul3A_97 = arith.constant 16 : i32
        %mul3A_98 = arith.muli %while3A_88, %mul3A_97 : i32
        %add3A_99 = vector.broadcast %mul3A_98 : i32 to vector<16xi32>
        %add3A_100 = arith.addi %add3A_99, %iota3A : vector<16xi32>
        %lt3A_101 = vector.broadcast %scan3A_11 : i32 to vector<16xi32>
        %lt3A_102 = arith.cmpi slt, %add3A_100, %lt3A_101 : vector<16xi32>
        %shift_right_logical3A = arith.constant 7 : i32
        %shift_right_logical3A_103 = vector.broadcast %shift_right_logical3A : i32 to vector<16xi32>
        %shift_right_logical3A_104 = arith.shrui %get3A_92, %shift_right_logical3A_103 : vector<16xi32>
        %eq3A_105 = vector.broadcast %add3A_44 : i32 to vector<16xi32>
        %eq3A_106 = arith.cmpi eq, %shift_right_logical3A_104, %eq3A_105 : vector<16xi32>
        %and3A = arith.andi %eq3A_106, %lt3A_102 : vector<16xi1>
        %convert_element_type3A_107 = arith.extui %and3A : vector<16xi1> to vector<16xi32>
        %broadcast_in_dim3A = arith.constant true
        %broadcast_in_dim3A_108 = vector.broadcast %broadcast_in_dim3A : i1 to vector<16xi1>
        %masked_cumsum3A = tpu.scan <sum>, %convert_element_type3A_107 masked %broadcast_in_dim3A_108 : vector<16xi32>, vector<16xi1> -> vector<16xi32>
        %add3A_109 = vector.broadcast %while3A_89 : i32 to vector<16xi32>
        %add3A_110 = arith.addi %add3A_109, %masked_cumsum3A : vector<16xi32>
        %sub3A = arith.constant 1 : i32
        %sub3A_111 = vector.broadcast %sub3A : i32 to vector<16xi32>
        %sub3A_112 = arith.subi %add3A_110, %sub3A_111 : vector<16xi32>
        %rem3A_113 = arith.constant 128 : i32
        %rem3A_114 = vector.broadcast %rem3A_113 : i32 to vector<16xi32>
        %rem3A_115 = arith.remsi %get3A_92, %rem3A_114 : vector<16xi32>
        tpu.vector_store_idx %arg13[%sub3A_112], %rem3A_115 masked %and3A : memref<8208xi32, #tpu.memory_space<vmem>>[vector<16xi32>], vector<16xi32>, vector<16xi1>
        tpu.vector_store_idx %arg14[%sub3A_112], %get3A_96 masked %and3A : memref<8208xi32, #tpu.memory_space<vmem>>[vector<16xi32>], vector<16xi32>, vector<16xi1>
        %slice3A = vector.extract_strided_slice %masked_cumsum3A {offsets = [15], sizes = [1], strides = [1]} : vector<16xi32> to vector<1xi32>
        %squeeze3A = vector.extract %slice3A[0] : i32 from vector<1xi32>
        %add3A_116 = arith.addi %while3A_89, %squeeze3A : i32
        scf.yield %add3A_116 : i32
      }
      %add3A_73 = arith.constant 15 : i32
      %add3A_74 = arith.addi %while3A_72, %add3A_73 : i32
      %div3A_75 = arith.constant 16 : i32
      %div3A_76 = arith.divsi %add3A_74, %div3A_75 : i32
      %while3A_77 = arith.constant 0 : i32
      %while3A_78 = arith.subi %div3A_76, %while3A_77 : i32
      %while3A_79 = arith.addi %while3A_77, %while3A_78 : i32
      %while3A_80 = arith.constant 1 : i32
      %while3A_81 = arith.divsi %while3A_78, %while3A_80 : i32
      %while3A_82 = arith.muli %while3A_81, %while3A_80 : i32
      %while3A_83 = arith.addi %while3A_77, %while3A_82 : i32
      %while3A_84 = arith.constant 1 : i32
      %while3A_85 = scf.for %while3A_88 = %while3A_77 to %while3A_83 step %while3A_84 iter_args(%while3A_89 = %scan3A_41) -> (i32)  : i32 {
        %mul3A_90 = arith.constant 16 : i32
        %mul3A_91 = arith.muli %while3A_88, %mul3A_90 : i32
        %get3A = arith.index_cast %mul3A_91 : i32 to index
        %get3A_92 = tpu.vector_load %arg13[%get3A] {strides = array<i32>} : memref<8208xi32, #tpu.memory_space<vmem>>, vector<16xi32>,
        %mul3A_93 = arith.constant 16 : i32
        %mul3A_94 = arith.muli %while3A_88, %mul3A_93 : i32
        %get3A_95 = arith.index_cast %mul3A_94 : i32 to index
        %get3A_96 = tpu.vector_load %arg14[%get3A_95] {strides = array<i32>} : memref<8208xi32, #tpu.memory_space<vmem>>, vector<16xi32>,
        %mul3A_97 = arith.constant 16 : i32
        %mul3A_98 = arith.muli %while3A_88, %mul3A_97 : i32
        %add3A_99 = vector.broadcast %mul3A_98 : i32 to vector<16xi32>
        %add3A_100 = arith.addi %add3A_99, %iota3A : vector<16xi32>
        %lt3A_101 = vector.broadcast %while3A_72 : i32 to vector<16xi32>
        %lt3A_102 = arith.cmpi slt, %add3A_100, %lt3A_101 : vector<16xi32>
        %mul3A_103 = arith.constant 16 : i32
        %mul3A_104 = arith.muli %while3A_88, %mul3A_103 : i32
        %sub3A = arith.subi %while3A_72, %mul3A_104 : i32
        %min3A = arith.constant 16 : i32
        %min3A_105 = arith.minsi %sub3A, %min3A : i32
        %add3A_106 = vector.broadcast %while3A_89 : i32 to vector<16xi32>
        %add3A_107 = arith.addi %add3A_106, %iota3A : vector<16xi32>
        %shift_right_logical3A = arith.constant 7 : i32
        %shift_right_logical3A_108 = vector.broadcast %shift_right_logical3A : i32 to vector<16xi32>
        %shift_right_logical3A_109 = arith.shrui %add3A_107, %shift_right_logical3A_108 : vector<16xi32>
        %rem3A_110 = arith.constant 128 : i32
        %rem3A_111 = vector.broadcast %rem3A_110 : i32 to vector<16xi32>
        %rem3A_112 = arith.remsi %add3A_107, %rem3A_111 : vector<16xi32>
        tpu.vector_store_idx %arg12[%shift_right_logical3A_109, %rem3A_112], %get3A_96 masked %lt3A_102 : memref<64x128xi32, #tpu.memory_space<vmem>>[vector<16xi32>, vector<16xi32>], vector<16xi32>, vector<16xi1>
        %rem3A_113 = arith.constant 256 : i32
        %rem3A_114 = vector.broadcast %rem3A_113 : i32 to vector<16xi32>
        %rem3A_115 = arith.remsi %add3A_107, %rem3A_114 : vector<16xi32>
        %scan3A_116 = arith.constant 0 : i32
        %scan3A_117 = arith.constant 0 : i32
        %scan3A_118 = arith.constant 16 : i32
        %scan3A_119 = arith.addi %scan3A_117, %scan3A_118 : i32
        %scan3A_120 = arith.constant 1 : i32
        scf.for %scan3A_131 = %scan3A_117 to %scan3A_119 step %scan3A_120  : i32 {
          %add3A_132 = vector.broadcast %scan3A_131 : i32 to vector<16xi32>
          %add3A_133 = arith.addi %iota3A, %add3A_132 : vector<16xi32>
          %rem3A_134 = arith.constant 16 : i32
          %rem3A_135 = vector.broadcast %rem3A_134 : i32 to vector<16xi32>
          %rem3A_136 = arith.remsi %add3A_133, %rem3A_135 : vector<16xi32>
          %add3A_137 = arith.constant 0 : i32
          %add3A_138 = vector.broadcast %add3A_137 : i32 to vector<16xi32>
          %add3A_139 = arith.addi %rem3A_136, %add3A_138 : vector<16xi32>
          %not3A = arith.constant true
          %not3A_140 = arith.xori %eq3A_45, %not3A : i1
          %convert_element_type3A_141 = arith.extui %not3A_140 : i1 to i32
          %cond3A_142 = arith.constant 0 : i32
          %cond3A_143 = arith.cmpi ne, %convert_element_type3A_141, %cond3A_142 : i32
          scf.if %cond3A_143 {
            %gather3A = arith.constant 0 : i32
            %gather3A_180 = arith.constant 0 : i32
            %gather3A_181 = tpu.memref_slice %arg9[%rem3A_47, %gather3A, %gather3A_180] : memref<2x64x128xf32, #tpu.memory_space<vmem>> -> memref<1x64x128xf32, #tpu.memory_space<vmem>>
            %gather3A_182 = tpu.memref_squeeze %gather3A_181 : memref<1x64x128xf32, #tpu.memory_space<vmem>> -> memref<64x128xf32, #tpu.memory_space<vmem>>
            %gather3A_183 = tpu.vector_load_idx %gather3A_182[%add3A_139, %get3A_92] masked %lt3A_102 : memref<64x128xf32, #tpu.memory_space<vmem>>[vector<16xi32>, vector<16xi32>], vector<16xf32>, vector<16xi1>
            tpu.vector_store_idx %arg11[%rem3A_115, %add3A_139], %gather3A_183 masked %lt3A_102 : memref<256x128xf32, #tpu.memory_space<vmem>>[vector<16xi32>, vector<16xi32>], vector<16xf32>, vector<16xi1>
          } else {
          }
          %convert_element_type3A_144 = arith.extui %eq3A_45 : i1 to i32
          %cond3A_145 = arith.constant 0 : i32
          %cond3A_146 = arith.cmpi ne, %convert_element_type3A_144, %cond3A_145 : i32
          scf.if %cond3A_146 {
            %gather3A = tpu.vector_load_idx %arg10[%get3A_92, %add3A_139] masked %lt3A_102 : memref<32x128xf32, #tpu.memory_space<vmem>>[vector<16xi32>, vector<16xi32>], vector<16xf32>, vector<16xi1>
            tpu.vector_store_idx %arg11[%rem3A_115, %add3A_139], %gather3A masked %lt3A_102 : memref<256x128xf32, #tpu.memory_space<vmem>>[vector<16xi32>, vector<16xi32>], vector<16xf32>, vector<16xi1>
          } else {
          }
          %add3A_147 = arith.constant 16 : i32
          %add3A_148 = vector.broadcast %add3A_147 : i32 to vector<16xi32>
          %add3A_149 = arith.addi %rem3A_136, %add3A_148 : vector<16xi32>
          %not3A_150 = arith.constant true
          %not3A_151 = arith.xori %eq3A_45, %not3A_150 : i1
          %convert_element_type3A_152 = arith.extui %not3A_151 : i1 to i32
          %cond3A_153 = arith.constant 0 : i32
          %cond3A_154 = arith.cmpi ne, %convert_element_type3A_152, %cond3A_153 : i32
          scf.if %cond3A_154 {
            %gather3A = arith.constant 0 : i32
            %gather3A_180 = arith.constant 0 : i32
            %gather3A_181 = tpu.memref_slice %arg9[%rem3A_47, %gather3A, %gather3A_180] : memref<2x64x128xf32, #tpu.memory_space<vmem>> -> memref<1x64x128xf32, #tpu.memory_space<vmem>>
            %gather3A_182 = tpu.memref_squeeze %gather3A_181 : memref<1x64x128xf32, #tpu.memory_space<vmem>> -> memref<64x128xf32, #tpu.memory_space<vmem>>
            %gather3A_183 = tpu.vector_load_idx %gather3A_182[%add3A_149, %get3A_92] masked %lt3A_102 : memref<64x128xf32, #tpu.memory_space<vmem>>[vector<16xi32>, vector<16xi32>], vector<16xf32>, vector<16xi1>
            tpu.vector_store_idx %arg11[%rem3A_115, %add3A_149], %gather3A_183 masked %lt3A_102 : memref<256x128xf32, #tpu.memory_space<vmem>>[vector<16xi32>, vector<16xi32>], vector<16xf32>, vector<16xi1>
          } else {
          }
          %convert_element_type3A_155 = arith.extui %eq3A_45 : i1 to i32
          %cond3A_156 = arith.constant 0 : i32
          %cond3A_157 = arith.cmpi ne, %convert_element_type3A_155, %cond3A_156 : i32
          scf.if %cond3A_157 {
            %gather3A = tpu.vector_load_idx %arg10[%get3A_92, %add3A_149] masked %lt3A_102 : memref<32x128xf32, #tpu.memory_space<vmem>>[vector<16xi32>, vector<16xi32>], vector<16xf32>, vector<16xi1>
            tpu.vector_store_idx %arg11[%rem3A_115, %add3A_149], %gather3A masked %lt3A_102 : memref<256x128xf32, #tpu.memory_space<vmem>>[vector<16xi32>, vector<16xi32>], vector<16xf32>, vector<16xi1>
          } else {
          }
          %add3A_158 = arith.constant 32 : i32
          %add3A_159 = vector.broadcast %add3A_158 : i32 to vector<16xi32>
          %add3A_160 = arith.addi %rem3A_136, %add3A_159 : vector<16xi32>
          %not3A_161 = arith.constant true
          %not3A_162 = arith.xori %eq3A_45, %not3A_161 : i1
          %convert_element_type3A_163 = arith.extui %not3A_162 : i1 to i32
          %cond3A_164 = arith.constant 0 : i32
          %cond3A_165 = arith.cmpi ne, %convert_element_type3A_163, %cond3A_164 : i32
          scf.if %cond3A_165 {
            %gather3A = arith.constant 0 : i32
            %gather3A_180 = arith.constant 0 : i32
            %gather3A_181 = tpu.memref_slice %arg9[%rem3A_47, %gather3A, %gather3A_180] : memref<2x64x128xf32, #tpu.memory_space<vmem>> -> memref<1x64x128xf32, #tpu.memory_space<vmem>>
            %gather3A_182 = tpu.memref_squeeze %gather3A_181 : memref<1x64x128xf32, #tpu.memory_space<vmem>> -> memref<64x128xf32, #tpu.memory_space<vmem>>
            %gather3A_183 = tpu.vector_load_idx %gather3A_182[%add3A_160, %get3A_92] masked %lt3A_102 : memref<64x128xf32, #tpu.memory_space<vmem>>[vector<16xi32>, vector<16xi32>], vector<16xf32>, vector<16xi1>
            tpu.vector_store_idx %arg11[%rem3A_115, %add3A_160], %gather3A_183 masked %lt3A_102 : memref<256x128xf32, #tpu.memory_space<vmem>>[vector<16xi32>, vector<16xi32>], vector<16xf32>, vector<16xi1>
          } else {
          }
          %convert_element_type3A_166 = arith.extui %eq3A_45 : i1 to i32
          %cond3A_167 = arith.constant 0 : i32
          %cond3A_168 = arith.cmpi ne, %convert_element_type3A_166, %cond3A_167 : i32
          scf.if %cond3A_168 {
            %gather3A = tpu.vector_load_idx %arg10[%get3A_92, %add3A_160] masked %lt3A_102 : memref<32x128xf32, #tpu.memory_space<vmem>>[vector<16xi32>, vector<16xi32>], vector<16xf32>, vector<16xi1>
            tpu.vector_store_idx %arg11[%rem3A_115, %add3A_160], %gather3A masked %lt3A_102 : memref<256x128xf32, #tpu.memory_space<vmem>>[vector<16xi32>, vector<16xi32>], vector<16xf32>, vector<16xi1>
          } else {
          }
          %add3A_169 = arith.constant 48 : i32
          %add3A_170 = vector.broadcast %add3A_169 : i32 to vector<16xi32>
          %add3A_171 = arith.addi %rem3A_136, %add3A_170 : vector<16xi32>
          %not3A_172 = arith.constant true
          %not3A_173 = arith.xori %eq3A_45, %not3A_172 : i1
          %convert_element_type3A_174 = arith.extui %not3A_173 : i1 to i32
          %cond3A_175 = arith.constant 0 : i32
          %cond3A_176 = arith.cmpi ne, %convert_element_type3A_174, %cond3A_175 : i32
          scf.if %cond3A_176 {
            %gather3A = arith.constant 0 : i32
            %gather3A_180 = arith.constant 0 : i32
            %gather3A_181 = tpu.memref_slice %arg9[%rem3A_47, %gather3A, %gather3A_180] : memref<2x64x128xf32, #tpu.memory_space<vmem>> -> memref<1x64x128xf32, #tpu.memory_space<vmem>>
            %gather3A_182 = tpu.memref_squeeze %gather3A_181 : memref<1x64x128xf32, #tpu.memory_space<vmem>> -> memref<64x128xf32, #tpu.memory_space<vmem>>
            %gather3A_183 = tpu.vector_load_idx %gather3A_182[%add3A_171, %get3A_92] masked %lt3A_102 : memref<64x128xf32, #tpu.memory_space<vmem>>[vector<16xi32>, vector<16xi32>], vector<16xf32>, vector<16xi1>
            tpu.vector_store_idx %arg11[%rem3A_115, %add3A_171], %gather3A_183 masked %lt3A_102 : memref<256x128xf32, #tpu.memory_space<vmem>>[vector<16xi32>, vector<16xi32>], vector<16xf32>, vector<16xi1>
          } else {
          }
          %convert_element_type3A_177 = arith.extui %eq3A_45 : i1 to i32
          %cond3A_178 = arith.constant 0 : i32
          %cond3A_179 = arith.cmpi ne, %convert_element_type3A_177, %cond3A_178 : i32
          scf.if %cond3A_179 {
            %gather3A = tpu.vector_load_idx %arg10[%get3A_92, %add3A_171] masked %lt3A_102 : memref<32x128xf32, #tpu.memory_space<vmem>>[vector<16xi32>, vector<16xi32>], vector<16xf32>, vector<16xi1>
            tpu.vector_store_idx %arg11[%rem3A_115, %add3A_171], %gather3A masked %lt3A_102 : memref<256x128xf32, #tpu.memory_space<vmem>>[vector<16xi32>, vector<16xi32>], vector<16xf32>, vector<16xi1>
          } else {
          }
        }
        %scan3A_121 = arith.constant 16 : i32
        %add3A_122 = arith.addi %while3A_89, %min3A_105 : i32
        %shift_right_logical3A_123 = arith.constant 7 : i32
        %shift_right_logical3A_124 = arith.shrui %add3A_122, %shift_right_logical3A_123 : i32
        %shift_right_logical3A_125 = arith.constant 7 : i32
        %shift_right_logical3A_126 = arith.shrui %while3A_89, %shift_right_logical3A_125 : i32
        %gt3A_127 = arith.cmpi sgt, %shift_right_logical3A_124, %shift_right_logical3A_126 : i32
        %convert_element_type3A_128 = arith.extui %gt3A_127 : i1 to i32
        %cond3A_129 = arith.constant 0 : i32
        %cond3A_130 = arith.cmpi ne, %convert_element_type3A_128, %cond3A_129 : i32
        scf.if %cond3A_130 {
          %shift_right_logical3A_131 = arith.constant 7 : i32
          %shift_right_logical3A_132 = arith.shrui %while3A_89, %shift_right_logical3A_131 : i32
          %rem3A_133 = arith.constant 2 : i32
          %rem3A_134 = arith.remsi %shift_right_logical3A_132, %rem3A_133 : i32
          %mul3A_135 = arith.constant 128 : i32
          %mul3A_136 = arith.muli %rem3A_134, %mul3A_135 : i32
          %dma_start3A_137 = arith.constant 0 : i32
          %dma_start3A_138 = tpu.memref_slice %arg11[%mul3A_136, %dma_start3A_137] : memref<256x128xf32, #tpu.memory_space<vmem>> -> memref<128x128xf32, #tpu.memory_space<vmem>>
          %dma_start3A_139 = arith.constant 0 : i32
          %dma_start3A_140 = tpu.memref_slice %arg12[%shift_right_logical3A_132, %dma_start3A_139] : memref<64x128xi32, #tpu.memory_space<vmem>> -> memref<1x128xi32, #tpu.memory_space<vmem>>
          %dma_start3A_141 = tpu.memref_squeeze %dma_start3A_140 : memref<1x128xi32, #tpu.memory_space<vmem>> -> memref<128xi32, #tpu.memory_space<vmem>>
          %dma_start3A_142 = arith.constant 0 : i32
          %dma_start3A_143 = arith.constant 0 : i32
          %dma_start3A_144 = tpu.memref_slice %arg5[%dma_start3A_142, %dma_start3A_143] : memref<8192x128xf32, #tpu.memory_space<hbm>> -> memref<8192x128xf32, #tpu.memory_space<hbm>>
          %dma_start3A_145 = arith.constant -1 : i32
          tpu.enqueue_indirect_dma source(%dma_start3A_138 : memref<128x128xf32, #tpu.memory_space<vmem>>) target(%dma_start3A_144 : memref<8192x128xf32, #tpu.memory_space<hbm>>) offsets(%dma_start3A_141 : memref<128xi32, #tpu.memory_space<vmem>>) offset_filter(%dma_start3A_145) semaphore(%arg15 : memref<!tpu.dma_semaphore, #tpu.memory_space<semaphore_mem>>)
          %dma_wait3A = arith.constant 0 : i32
          %dma_wait3A_146 = tpu.memref_slice %arg11[%mul3A_136, %dma_wait3A] : memref<256x128xf32, #tpu.memory_space<vmem>> -> memref<128x128xf32, #tpu.memory_space<vmem>>
          %dma_wait3A_147 = arith.constant 0 : i32
          %dma_wait3A_148 = tpu.memref_slice %arg12[%shift_right_logical3A_132, %dma_wait3A_147] : memref<64x128xi32, #tpu.memory_space<vmem>> -> memref<1x128xi32, #tpu.memory_space<vmem>>
          %dma_wait3A_149 = tpu.memref_squeeze %dma_wait3A_148 : memref<1x128xi32, #tpu.memory_space<vmem>> -> memref<128xi32, #tpu.memory_space<vmem>>
          %dma_wait3A_150 = arith.constant 0 : i32
          %dma_wait3A_151 = arith.constant 0 : i32
          %dma_wait3A_152 = tpu.memref_slice %arg5[%dma_wait3A_150, %dma_wait3A_151] : memref<8192x128xf32, #tpu.memory_space<hbm>> -> memref<8192x128xf32, #tpu.memory_space<hbm>>
          tpu.wait_indirect_dma semaphore(%arg15 : memref<!tpu.dma_semaphore, #tpu.memory_space<semaphore_mem>>) src(%dma_wait3A_146 : memref<128x128xf32, #tpu.memory_space<vmem>>) dst(%dma_wait3A_152 : memref<8192x128xf32, #tpu.memory_space<hbm>>)
        } else {
        }
        scf.yield %add3A_122 : i32
      }
      %while3A_86 = arith.constant 1 : i32
      %while3A_87 = scf.for %while3A_88 = %while3A_83 to %while3A_79 step %while3A_86 iter_args(%while3A_89 = %while3A_85) -> (i32)  : i32 {
        %mul3A_90 = arith.constant 16 : i32
        %mul3A_91 = arith.muli %while3A_88, %mul3A_90 : i32
        %get3A = arith.index_cast %mul3A_91 : i32 to index
        %get3A_92 = tpu.vector_load %arg13[%get3A] {strides = array<i32>} : memref<8208xi32, #tpu.memory_space<vmem>>, vector<16xi32>,
        %mul3A_93 = arith.constant 16 : i32
        %mul3A_94 = arith.muli %while3A_88, %mul3A_93 : i32
        %get3A_95 = arith.index_cast %mul3A_94 : i32 to index
        %get3A_96 = tpu.vector_load %arg14[%get3A_95] {strides = array<i32>} : memref<8208xi32, #tpu.memory_space<vmem>>, vector<16xi32>,
        %mul3A_97 = arith.constant 16 : i32
        %mul3A_98 = arith.muli %while3A_88, %mul3A_97 : i32
        %add3A_99 = vector.broadcast %mul3A_98 : i32 to vector<16xi32>
        %add3A_100 = arith.addi %add3A_99, %iota3A : vector<16xi32>
        %lt3A_101 = vector.broadcast %while3A_72 : i32 to vector<16xi32>
        %lt3A_102 = arith.cmpi slt, %add3A_100, %lt3A_101 : vector<16xi32>
        %mul3A_103 = arith.constant 16 : i32
        %mul3A_104 = arith.muli %while3A_88, %mul3A_103 : i32
        %sub3A = arith.subi %while3A_72, %mul3A_104 : i32
        %min3A = arith.constant 16 : i32
        %min3A_105 = arith.minsi %sub3A, %min3A : i32
        %add3A_106 = vector.broadcast %while3A_89 : i32 to vector<16xi32>
        %add3A_107 = arith.addi %add3A_106, %iota3A : vector<16xi32>
        %shift_right_logical3A = arith.constant 7 : i32
        %shift_right_logical3A_108 = vector.broadcast %shift_right_logical3A : i32 to vector<16xi32>
        %shift_right_logical3A_109 = arith.shrui %add3A_107, %shift_right_logical3A_108 : vector<16xi32>
        %rem3A_110 = arith.constant 128 : i32
        %rem3A_111 = vector.broadcast %rem3A_110 : i32 to vector<16xi32>
        %rem3A_112 = arith.remsi %add3A_107, %rem3A_111 : vector<16xi32>
        tpu.vector_store_idx %arg12[%shift_right_logical3A_109, %rem3A_112], %get3A_96 masked %lt3A_102 : memref<64x128xi32, #tpu.memory_space<vmem>>[vector<16xi32>, vector<16xi32>], vector<16xi32>, vector<16xi1>
        %rem3A_113 = arith.constant 256 : i32
        %rem3A_114 = vector.broadcast %rem3A_113 : i32 to vector<16xi32>
        %rem3A_115 = arith.remsi %add3A_107, %rem3A_114 : vector<16xi32>
        %scan3A_116 = arith.constant 0 : i32
        %scan3A_117 = arith.constant 0 : i32
        %scan3A_118 = arith.constant 16 : i32
        %scan3A_119 = arith.addi %scan3A_117, %scan3A_118 : i32
        %scan3A_120 = arith.constant 1 : i32
        scf.for %scan3A_131 = %scan3A_117 to %scan3A_119 step %scan3A_120  : i32 {
          %add3A_132 = vector.broadcast %scan3A_131 : i32 to vector<16xi32>
          %add3A_133 = arith.addi %iota3A, %add3A_132 : vector<16xi32>
          %rem3A_134 = arith.constant 16 : i32
          %rem3A_135 = vector.broadcast %rem3A_134 : i32 to vector<16xi32>
          %rem3A_136 = arith.remsi %add3A_133, %rem3A_135 : vector<16xi32>
          %add3A_137 = arith.constant 0 : i32
          %add3A_138 = vector.broadcast %add3A_137 : i32 to vector<16xi32>
          %add3A_139 = arith.addi %rem3A_136, %add3A_138 : vector<16xi32>
          %not3A = arith.constant true
          %not3A_140 = arith.xori %eq3A_45, %not3A : i1
          %convert_element_type3A_141 = arith.extui %not3A_140 : i1 to i32
          %cond3A_142 = arith.constant 0 : i32
          %cond3A_143 = arith.cmpi ne, %convert_element_type3A_141, %cond3A_142 : i32
          scf.if %cond3A_143 {
            %gather3A = arith.constant 0 : i32
            %gather3A_180 = arith.constant 0 : i32
            %gather3A_181 = tpu.memref_slice %arg9[%rem3A_47, %gather3A, %gather3A_180] : memref<2x64x128xf32, #tpu.memory_space<vmem>> -> memref<1x64x128xf32, #tpu.memory_space<vmem>>
            %gather3A_182 = tpu.memref_squeeze %gather3A_181 : memref<1x64x128xf32, #tpu.memory_space<vmem>> -> memref<64x128xf32, #tpu.memory_space<vmem>>
            %gather3A_183 = tpu.vector_load_idx %gather3A_182[%add3A_139, %get3A_92] masked %lt3A_102 : memref<64x128xf32, #tpu.memory_space<vmem>>[vector<16xi32>, vector<16xi32>], vector<16xf32>, vector<16xi1>
            tpu.vector_store_idx %arg11[%rem3A_115, %add3A_139], %gather3A_183 masked %lt3A_102 : memref<256x128xf32, #tpu.memory_space<vmem>>[vector<16xi32>, vector<16xi32>], vector<16xf32>, vector<16xi1>
          } else {
          }
          %convert_element_type3A_144 = arith.extui %eq3A_45 : i1 to i32
          %cond3A_145 = arith.constant 0 : i32
          %cond3A_146 = arith.cmpi ne, %convert_element_type3A_144, %cond3A_145 : i32
          scf.if %cond3A_146 {
            %gather3A = tpu.vector_load_idx %arg10[%get3A_92, %add3A_139] masked %lt3A_102 : memref<32x128xf32, #tpu.memory_space<vmem>>[vector<16xi32>, vector<16xi32>], vector<16xf32>, vector<16xi1>
            tpu.vector_store_idx %arg11[%rem3A_115, %add3A_139], %gather3A masked %lt3A_102 : memref<256x128xf32, #tpu.memory_space<vmem>>[vector<16xi32>, vector<16xi32>], vector<16xf32>, vector<16xi1>
          } else {
          }
          %add3A_147 = arith.constant 16 : i32
          %add3A_148 = vector.broadcast %add3A_147 : i32 to vector<16xi32>
          %add3A_149 = arith.addi %rem3A_136, %add3A_148 : vector<16xi32>
          %not3A_150 = arith.constant true
          %not3A_151 = arith.xori %eq3A_45, %not3A_150 : i1
          %convert_element_type3A_152 = arith.extui %not3A_151 : i1 to i32
          %cond3A_153 = arith.constant 0 : i32
          %cond3A_154 = arith.cmpi ne, %convert_element_type3A_152, %cond3A_153 : i32
          scf.if %cond3A_154 {
            %gather3A = arith.constant 0 : i32
            %gather3A_180 = arith.constant 0 : i32
            %gather3A_181 = tpu.memref_slice %arg9[%rem3A_47, %gather3A, %gather3A_180] : memref<2x64x128xf32, #tpu.memory_space<vmem>> -> memref<1x64x128xf32, #tpu.memory_space<vmem>>
            %gather3A_182 = tpu.memref_squeeze %gather3A_181 : memref<1x64x128xf32, #tpu.memory_space<vmem>> -> memref<64x128xf32, #tpu.memory_space<vmem>>
            %gather3A_183 = tpu.vector_load_idx %gather3A_182[%add3A_149, %get3A_92] masked %lt3A_102 : memref<64x128xf32, #tpu.memory_space<vmem>>[vector<16xi32>, vector<16xi32>], vector<16xf32>, vector<16xi1>
            tpu.vector_store_idx %arg11[%rem3A_115, %add3A_149], %gather3A_183 masked %lt3A_102 : memref<256x128xf32, #tpu.memory_space<vmem>>[vector<16xi32>, vector<16xi32>], vector<16xf32>, vector<16xi1>
          } else {
          }
          %convert_element_type3A_155 = arith.extui %eq3A_45 : i1 to i32
          %cond3A_156 = arith.constant 0 : i32
          %cond3A_157 = arith.cmpi ne, %convert_element_type3A_155, %cond3A_156 : i32
          scf.if %cond3A_157 {
            %gather3A = tpu.vector_load_idx %arg10[%get3A_92, %add3A_149] masked %lt3A_102 : memref<32x128xf32, #tpu.memory_space<vmem>>[vector<16xi32>, vector<16xi32>], vector<16xf32>, vector<16xi1>
            tpu.vector_store_idx %arg11[%rem3A_115, %add3A_149], %gather3A masked %lt3A_102 : memref<256x128xf32, #tpu.memory_space<vmem>>[vector<16xi32>, vector<16xi32>], vector<16xf32>, vector<16xi1>
          } else {
          }
          %add3A_158 = arith.constant 32 : i32
          %add3A_159 = vector.broadcast %add3A_158 : i32 to vector<16xi32>
          %add3A_160 = arith.addi %rem3A_136, %add3A_159 : vector<16xi32>
          %not3A_161 = arith.constant true
          %not3A_162 = arith.xori %eq3A_45, %not3A_161 : i1
          %convert_element_type3A_163 = arith.extui %not3A_162 : i1 to i32
          %cond3A_164 = arith.constant 0 : i32
          %cond3A_165 = arith.cmpi ne, %convert_element_type3A_163, %cond3A_164 : i32
          scf.if %cond3A_165 {
            %gather3A = arith.constant 0 : i32
            %gather3A_180 = arith.constant 0 : i32
            %gather3A_181 = tpu.memref_slice %arg9[%rem3A_47, %gather3A, %gather3A_180] : memref<2x64x128xf32, #tpu.memory_space<vmem>> -> memref<1x64x128xf32, #tpu.memory_space<vmem>>
            %gather3A_182 = tpu.memref_squeeze %gather3A_181 : memref<1x64x128xf32, #tpu.memory_space<vmem>> -> memref<64x128xf32, #tpu.memory_space<vmem>>
            %gather3A_183 = tpu.vector_load_idx %gather3A_182[%add3A_160, %get3A_92] masked %lt3A_102 : memref<64x128xf32, #tpu.memory_space<vmem>>[vector<16xi32>, vector<16xi32>], vector<16xf32>, vector<16xi1>
            tpu.vector_store_idx %arg11[%rem3A_115, %add3A_160], %gather3A_183 masked %lt3A_102 : memref<256x128xf32, #tpu.memory_space<vmem>>[vector<16xi32>, vector<16xi32>], vector<16xf32>, vector<16xi1>
          } else {
          }
          %convert_element_type3A_166 = arith.extui %eq3A_45 : i1 to i32
          %cond3A_167 = arith.constant 0 : i32
          %cond3A_168 = arith.cmpi ne, %convert_element_type3A_166, %cond3A_167 : i32
          scf.if %cond3A_168 {
            %gather3A = tpu.vector_load_idx %arg10[%get3A_92, %add3A_160] masked %lt3A_102 : memref<32x128xf32, #tpu.memory_space<vmem>>[vector<16xi32>, vector<16xi32>], vector<16xf32>, vector<16xi1>
            tpu.vector_store_idx %arg11[%rem3A_115, %add3A_160], %gather3A masked %lt3A_102 : memref<256x128xf32, #tpu.memory_space<vmem>>[vector<16xi32>, vector<16xi32>], vector<16xf32>, vector<16xi1>
          } else {
          }
          %add3A_169 = arith.constant 48 : i32
          %add3A_170 = vector.broadcast %add3A_169 : i32 to vector<16xi32>
          %add3A_171 = arith.addi %rem3A_136, %add3A_170 : vector<16xi32>
          %not3A_172 = arith.constant true
          %not3A_173 = arith.xori %eq3A_45, %not3A_172 : i1
          %convert_element_type3A_174 = arith.extui %not3A_173 : i1 to i32
          %cond3A_175 = arith.constant 0 : i32
          %cond3A_176 = arith.cmpi ne, %convert_element_type3A_174, %cond3A_175 : i32
          scf.if %cond3A_176 {
            %gather3A = arith.constant 0 : i32
            %gather3A_180 = arith.constant 0 : i32
            %gather3A_181 = tpu.memref_slice %arg9[%rem3A_47, %gather3A, %gather3A_180] : memref<2x64x128xf32, #tpu.memory_space<vmem>> -> memref<1x64x128xf32, #tpu.memory_space<vmem>>
            %gather3A_182 = tpu.memref_squeeze %gather3A_181 : memref<1x64x128xf32, #tpu.memory_space<vmem>> -> memref<64x128xf32, #tpu.memory_space<vmem>>
            %gather3A_183 = tpu.vector_load_idx %gather3A_182[%add3A_171, %get3A_92] masked %lt3A_102 : memref<64x128xf32, #tpu.memory_space<vmem>>[vector<16xi32>, vector<16xi32>], vector<16xf32>, vector<16xi1>
            tpu.vector_store_idx %arg11[%rem3A_115, %add3A_171], %gather3A_183 masked %lt3A_102 : memref<256x128xf32, #tpu.memory_space<vmem>>[vector<16xi32>, vector<16xi32>], vector<16xf32>, vector<16xi1>
          } else {
          }
          %convert_element_type3A_177 = arith.extui %eq3A_45 : i1 to i32
          %cond3A_178 = arith.constant 0 : i32
          %cond3A_179 = arith.cmpi ne, %convert_element_type3A_177, %cond3A_178 : i32
          scf.if %cond3A_179 {
            %gather3A = tpu.vector_load_idx %arg10[%get3A_92, %add3A_171] masked %lt3A_102 : memref<32x128xf32, #tpu.memory_space<vmem>>[vector<16xi32>, vector<16xi32>], vector<16xf32>, vector<16xi1>
            tpu.vector_store_idx %arg11[%rem3A_115, %add3A_171], %gather3A masked %lt3A_102 : memref<256x128xf32, #tpu.memory_space<vmem>>[vector<16xi32>, vector<16xi32>], vector<16xf32>, vector<16xi1>
          } else {
          }
        }
        %scan3A_121 = arith.constant 16 : i32
        %add3A_122 = arith.addi %while3A_89, %min3A_105 : i32
        %shift_right_logical3A_123 = arith.constant 7 : i32
        %shift_right_logical3A_124 = arith.shrui %add3A_122, %shift_right_logical3A_123 : i32
        %shift_right_logical3A_125 = arith.constant 7 : i32
        %shift_right_logical3A_126 = arith.shrui %while3A_89, %shift_right_logical3A_125 : i32
        %gt3A_127 = arith.cmpi sgt, %shift_right_logical3A_124, %shift_right_logical3A_126 : i32
        %convert_element_type3A_128 = arith.extui %gt3A_127 : i1 to i32
        %cond3A_129 = arith.constant 0 : i32
        %cond3A_130 = arith.cmpi ne, %convert_element_type3A_128, %cond3A_129 : i32
        scf.if %cond3A_130 {
          %shift_right_logical3A_131 = arith.constant 7 : i32
          %shift_right_logical3A_132 = arith.shrui %while3A_89, %shift_right_logical3A_131 : i32
          %rem3A_133 = arith.constant 2 : i32
          %rem3A_134 = arith.remsi %shift_right_logical3A_132, %rem3A_133 : i32
          %mul3A_135 = arith.constant 128 : i32
          %mul3A_136 = arith.muli %rem3A_134, %mul3A_135 : i32
          %dma_start3A_137 = arith.constant 0 : i32
          %dma_start3A_138 = tpu.memref_slice %arg11[%mul3A_136, %dma_start3A_137] : memref<256x128xf32, #tpu.memory_space<vmem>> -> memref<128x128xf32, #tpu.memory_space<vmem>>
          %dma_start3A_139 = arith.constant 0 : i32
          %dma_start3A_140 = tpu.memref_slice %arg12[%shift_right_logical3A_132, %dma_start3A_139] : memref<64x128xi32, #tpu.memory_space<vmem>> -> memref<1x128xi32, #tpu.memory_space<vmem>>
          %dma_start3A_141 = tpu.memref_squeeze %dma_start3A_140 : memref<1x128xi32, #tpu.memory_space<vmem>> -> memref<128xi32, #tpu.memory_space<vmem>>
          %dma_start3A_142 = arith.constant 0 : i32
          %dma_start3A_143 = arith.constant 0 : i32
          %dma_start3A_144 = tpu.memref_slice %arg5[%dma_start3A_142, %dma_start3A_143] : memref<8192x128xf32, #tpu.memory_space<hbm>> -> memref<8192x128xf32, #tpu.memory_space<hbm>>
          %dma_start3A_145 = arith.constant -1 : i32
          tpu.enqueue_indirect_dma source(%dma_start3A_138 : memref<128x128xf32, #tpu.memory_space<vmem>>) target(%dma_start3A_144 : memref<8192x128xf32, #tpu.memory_space<hbm>>) offsets(%dma_start3A_141 : memref<128xi32, #tpu.memory_space<vmem>>) offset_filter(%dma_start3A_145) semaphore(%arg15 : memref<!tpu.dma_semaphore, #tpu.memory_space<semaphore_mem>>)
          %dma_wait3A = arith.constant 0 : i32
          %dma_wait3A_146 = tpu.memref_slice %arg11[%mul3A_136, %dma_wait3A] : memref<256x128xf32, #tpu.memory_space<vmem>> -> memref<128x128xf32, #tpu.memory_space<vmem>>
          %dma_wait3A_147 = arith.constant 0 : i32
          %dma_wait3A_148 = tpu.memref_slice %arg12[%shift_right_logical3A_132, %dma_wait3A_147] : memref<64x128xi32, #tpu.memory_space<vmem>> -> memref<1x128xi32, #tpu.memory_space<vmem>>
          %dma_wait3A_149 = tpu.memref_squeeze %dma_wait3A_148 : memref<1x128xi32, #tpu.memory_space<vmem>> -> memref<128xi32, #tpu.memory_space<vmem>>
          %dma_wait3A_150 = arith.constant 0 : i32
          %dma_wait3A_151 = arith.constant 0 : i32
          %dma_wait3A_152 = tpu.memref_slice %arg5[%dma_wait3A_150, %dma_wait3A_151] : memref<8192x128xf32, #tpu.memory_space<hbm>> -> memref<8192x128xf32, #tpu.memory_space<hbm>>
          tpu.wait_indirect_dma semaphore(%arg15 : memref<!tpu.dma_semaphore, #tpu.memory_space<semaphore_mem>>) src(%dma_wait3A_146 : memref<128x128xf32, #tpu.memory_space<vmem>>) dst(%dma_wait3A_152 : memref<8192x128xf32, #tpu.memory_space<hbm>>)
        } else {
        }
        scf.yield %add3A_122 : i32
      }
      scf.yield %while3A_87 : i32
    }
    %scan3A_36 = arith.constant 25 : i32
    %rem3A = arith.constant 128 : i32
    %rem3A_37 = arith.remsi %scan3A_35, %rem3A : i32
    %gt3A = arith.constant 0 : i32
    %gt3A_38 = arith.cmpi sgt, %rem3A_37, %gt3A : i32
    %convert_element_type3A = arith.extui %gt3A_38 : i1 to i32
    %cond3A = arith.constant 0 : i32
    %cond3A_39 = arith.cmpi ne, %convert_element_type3A, %cond3A : i32
    scf.if %cond3A_39 {
      %shift_right_logical3A = arith.constant 7 : i32
      %shift_right_logical3A_40 = arith.shrui %scan3A_35, %shift_right_logical3A : i32
      %rem3A_41 = arith.constant 2 : i32
      %rem3A_42 = arith.remsi %shift_right_logical3A_40, %rem3A_41 : i32
      %mul3A_43 = arith.constant 128 : i32
      %mul3A_44 = arith.muli %rem3A_42, %mul3A_43 : i32
      %dma_start3A_45 = arith.constant 0 : i32
      %dma_start3A_46 = tpu.memref_slice %arg11[%mul3A_44, %dma_start3A_45] : memref<256x128xf32, #tpu.memory_space<vmem>> -> memref<128x128xf32, #tpu.memory_space<vmem>>
      %dma_start3A_47 = arith.constant 0 : i32
      %dma_start3A_48 = tpu.memref_slice %arg12[%shift_right_logical3A_40, %dma_start3A_47] : memref<64x128xi32, #tpu.memory_space<vmem>> -> memref<1x128xi32, #tpu.memory_space<vmem>>
      %dma_start3A_49 = tpu.memref_squeeze %dma_start3A_48 : memref<1x128xi32, #tpu.memory_space<vmem>> -> memref<128xi32, #tpu.memory_space<vmem>>
      %dma_start3A_50 = arith.constant 0 : i32
      %dma_start3A_51 = arith.constant 0 : i32
      %dma_start3A_52 = tpu.memref_slice %arg5[%dma_start3A_50, %dma_start3A_51] : memref<8192x128xf32, #tpu.memory_space<hbm>> -> memref<8192x128xf32, #tpu.memory_space<hbm>>
      %dma_start3A_53 = arith.constant -1 : i32
      tpu.enqueue_indirect_dma source(%dma_start3A_46 : memref<128x128xf32, #tpu.memory_space<vmem>>) target(%dma_start3A_52 : memref<8192x128xf32, #tpu.memory_space<hbm>>) offsets(%dma_start3A_49 : memref<128xi32, #tpu.memory_space<vmem>>) offset_filter(%dma_start3A_53) semaphore(%arg15 : memref<!tpu.dma_semaphore, #tpu.memory_space<semaphore_mem>>)
      %dma_wait3A = arith.constant 0 : i32
      %dma_wait3A_54 = tpu.memref_slice %arg11[%mul3A_44, %dma_wait3A] : memref<256x128xf32, #tpu.memory_space<vmem>> -> memref<128x128xf32, #tpu.memory_space<vmem>>
      %dma_wait3A_55 = arith.constant 0 : i32
      %dma_wait3A_56 = tpu.memref_slice %arg12[%shift_right_logical3A_40, %dma_wait3A_55] : memref<64x128xi32, #tpu.memory_space<vmem>> -> memref<1x128xi32, #tpu.memory_space<vmem>>
      %dma_wait3A_57 = tpu.memref_squeeze %dma_wait3A_56 : memref<1x128xi32, #tpu.memory_space<vmem>> -> memref<128xi32, #tpu.memory_space<vmem>>
      %dma_wait3A_58 = arith.constant 0 : i32
      %dma_wait3A_59 = arith.constant 0 : i32
      %dma_wait3A_60 = tpu.memref_slice %arg5[%dma_wait3A_58, %dma_wait3A_59] : memref<8192x128xf32, #tpu.memory_space<hbm>> -> memref<8192x128xf32, #tpu.memory_space<hbm>>
      tpu.wait_indirect_dma semaphore(%arg15 : memref<!tpu.dma_semaphore, #tpu.memory_space<semaphore_mem>>) src(%dma_wait3A_54 : memref<128x128xf32, #tpu.memory_space<vmem>>) dst(%dma_wait3A_60 : memref<8192x128xf32, #tpu.memory_space<hbm>>)
    } else {
    }
    return
  }
}

#map = affine_map<(d0, d1) -> (0, 0)>
#map1 = affine_map<(d0, d1) -> (0, 0, 0)>
module attributes {stable_mosaic.version = 14 : i64} {
  func.func @_posadd_body(%arg0: i32, %arg1: i32, %arg2: memref<8192x128xf32, #tpu.memory_space<hbm>>, %arg3: memref<64x2048xf32, #tpu.memory_space<hbm>>, %arg4: memref<4x64x2048xf32, #tpu.memory_space<hbm>>, %arg5: memref<256x128xf32, #tpu.memory_space<vmem>>, %arg6: memref<64x256xf32, #tpu.memory_space<vmem>>, %arg7: memref<64x256xf32, #tpu.memory_space<vmem>>, %arg8: memref<!tpu.dma_semaphore, #tpu.memory_space<semaphore_mem>>) attributes {dimension_semantics = [#tpu.dimension_semantics<core_parallel>, #tpu.dimension_semantics<subcore_parallel>], iteration_bounds = array<i64: 2, 16>, scalar_prefetch = 0 : i64, scratch_operands = 4 : i64, tpu.core_type = #tpu.core_type<sc_vector_subcore>, window_params = [{transform_indices = #map}, {transform_indices = #map}, {transform_indices = #map1}]} {
    %mul3A = arith.constant 2 : i32
    %mul3A_0 = arith.muli %arg1, %mul3A : i32
    %add3A = arith.addi %mul3A_0, %arg0 : i32
    %jit3A = arith.constant 8 : i32
    %div3A = arith.divsi %add3A, %jit3A : i32
    %sign3A = arith.constant 0 : i32
    %sign3A_1 = arith.cmpi sgt, %add3A, %sign3A : i32
    %sign3A_2 = arith.extui %sign3A_1 : i1 to i32
    %sign3A_3 = arith.constant 0 : i32
    %sign3A_4 = arith.cmpi slt, %add3A, %sign3A_3 : i32
    %sign3A_5 = arith.extui %sign3A_4 : i1 to i32
    %sign3A_6 = arith.subi %sign3A_2, %sign3A_5 : i32
    %sign3A_7 = arith.constant 0 : i32
    %sign3A_8 = arith.cmpi sgt, %jit3A, %sign3A_7 : i32
    %sign3A_9 = arith.extui %sign3A_8 : i1 to i32
    %sign3A_10 = arith.constant 0 : i32
    %sign3A_11 = arith.cmpi slt, %jit3A, %sign3A_10 : i32
    %sign3A_12 = arith.extui %sign3A_11 : i1 to i32
    %sign3A_13 = arith.subi %sign3A_9, %sign3A_12 : i32
    %ne3A = arith.cmpi ne, %sign3A_6, %sign3A_13 : i32
    %rem3A = arith.remsi %add3A, %jit3A : i32
    %ne3A_14 = arith.constant 0 : i32
    %ne3A_15 = arith.cmpi ne, %rem3A, %ne3A_14 : i32
    %and3A = arith.andi %ne3A, %ne3A_15 : i1
    %sub3A = arith.constant 1 : i32
    %sub3A_16 = arith.subi %div3A, %sub3A : i32
    %select_n3A = arith.select %and3A, %sub3A_16, %div3A : i32
    %jit3A_17 = arith.constant 8 : i32
    %eq3A = arith.constant 0 : i32
    %eq3A_18 = arith.cmpi eq, %jit3A_17, %eq3A : i32
    %jit3A_19 = arith.constant 1 : i32
    %select_n3A_20 = arith.select %eq3A_18, %jit3A_19, %jit3A_17 : i32
    %rem3A_21 = arith.remsi %add3A, %select_n3A_20 : i32
    %ne3A_22 = arith.constant 0 : i32
    %ne3A_23 = arith.cmpi ne, %rem3A_21, %ne3A_22 : i32
    %lt3A = arith.constant 0 : i32
    %lt3A_24 = arith.cmpi slt, %rem3A_21, %lt3A : i32
    %lt3A_25 = arith.constant 0 : i32
    %lt3A_26 = arith.cmpi slt, %select_n3A_20, %lt3A_25 : i32
    %ne3A_27 = arith.xori %lt3A_24, %lt3A_26 : i1
    %and3A_28 = arith.andi %ne3A_27, %ne3A_23 : i1
    %add3A_29 = arith.addi %rem3A_21, %select_n3A_20 : i32
    %select_n3A_30 = arith.select %and3A_28, %add3A_29, %rem3A_21 : i32
    %mul3A_31 = arith.constant 256 : i32
    %mul3A_32 = arith.muli %select_n3A_30, %mul3A_31 : i32
    %iota3A = tpu.iota {dimensions = array<i32: 0>} : vector<16xi32>
    %mul3A_33 = arith.constant 256 : i32
    %mul3A_34 = arith.muli %add3A, %mul3A_33 : i32
    "tpu.region"() ({
      %run_scoped3A = tpu.sem_alloc : memref<!tpu.dma_semaphore, #tpu.memory_space<semaphore_mem>>
      %dma_start3A = arith.constant 0 : i32
      %dma_start3A_40 = tpu.memref_slice %arg2[%mul3A_34, %dma_start3A] : memref<8192x128xf32, #tpu.memory_space<hbm>> -> memref<256x128xf32, #tpu.memory_space<hbm>>
      %dma_start3A_41 = arith.constant 0 : i32
      %dma_start3A_42 = tpu.memref_slice %arg2[%mul3A_34, %dma_start3A_41] : memref<8192x128xf32, #tpu.memory_space<hbm>> -> memref<256x128xf32, #tpu.memory_space<hbm>>
      tpu.enqueue_dma source(%dma_start3A_42 : memref<256x128xf32, #tpu.memory_space<hbm>>) target(%arg5 : memref<256x128xf32, #tpu.memory_space<vmem>>) target_semaphore(%run_scoped3A : memref<!tpu.dma_semaphore, #tpu.memory_space<semaphore_mem>>)
      %dma_wait3A = arith.constant 0 : i32
      %dma_wait3A_43 = tpu.memref_slice %arg2[%mul3A_34, %dma_wait3A] : memref<8192x128xf32, #tpu.memory_space<hbm>> -> memref<256x128xf32, #tpu.memory_space<hbm>>
      %dma_wait3A_44 = arith.constant 0 : i32
      %dma_wait3A_45 = tpu.memref_slice %arg2[%mul3A_34, %dma_wait3A_44] : memref<8192x128xf32, #tpu.memory_space<hbm>> -> memref<256x128xf32, #tpu.memory_space<hbm>>
      tpu.wait_dma2 semaphore(%run_scoped3A : memref<!tpu.dma_semaphore, #tpu.memory_space<semaphore_mem>>) src(%dma_wait3A_45 : memref<256x128xf32, #tpu.memory_space<hbm>>) dst(%arg5 : memref<256x128xf32, #tpu.memory_space<vmem>>)
      tpu.yield
    }) : () -> ()
    "tpu.region"() ({
      %run_scoped3A = tpu.sem_alloc : memref<!tpu.dma_semaphore, #tpu.memory_space<semaphore_mem>>
      %dma_start3A = arith.constant 0 : i32
      %dma_start3A_40 = tpu.memref_slice %arg3[%dma_start3A, %mul3A_32] : memref<64x2048xf32, #tpu.memory_space<hbm>> -> memref<64x256xf32, #tpu.memory_space<hbm>>
      %dma_start3A_41 = arith.constant 0 : i32
      %dma_start3A_42 = tpu.memref_slice %arg3[%dma_start3A_41, %mul3A_32] : memref<64x2048xf32, #tpu.memory_space<hbm>> -> memref<64x256xf32, #tpu.memory_space<hbm>>
      tpu.enqueue_dma source(%dma_start3A_42 : memref<64x256xf32, #tpu.memory_space<hbm>>) target(%arg6 : memref<64x256xf32, #tpu.memory_space<vmem>>) target_semaphore(%run_scoped3A : memref<!tpu.dma_semaphore, #tpu.memory_space<semaphore_mem>>)
      %dma_wait3A = arith.constant 0 : i32
      %dma_wait3A_43 = tpu.memref_slice %arg3[%dma_wait3A, %mul3A_32] : memref<64x2048xf32, #tpu.memory_space<hbm>> -> memref<64x256xf32, #tpu.memory_space<hbm>>
      %dma_wait3A_44 = arith.constant 0 : i32
      %dma_wait3A_45 = tpu.memref_slice %arg3[%dma_wait3A_44, %mul3A_32] : memref<64x2048xf32, #tpu.memory_space<hbm>> -> memref<64x256xf32, #tpu.memory_space<hbm>>
      tpu.wait_dma2 semaphore(%run_scoped3A : memref<!tpu.dma_semaphore, #tpu.memory_space<semaphore_mem>>) src(%dma_wait3A_45 : memref<64x256xf32, #tpu.memory_space<hbm>>) dst(%arg6 : memref<64x256xf32, #tpu.memory_space<vmem>>)
      tpu.yield
    }) : () -> ()
    %scan3A = arith.constant 0 : i32
    %scan3A_35 = arith.constant 0 : i32
    %scan3A_36 = arith.constant 16 : i32
    %scan3A_37 = arith.addi %scan3A_35, %scan3A_36 : i32
    %scan3A_38 = arith.constant 1 : i32
    scf.for %scan3A_40 = %scan3A_35 to %scan3A_37 step %scan3A_38  : i32 {
      %mul3A_41 = arith.constant 16 : i32
      %mul3A_42 = arith.muli %scan3A_40, %mul3A_41 : i32
      %add3A_43 = vector.broadcast %mul3A_42 : i32 to vector<16xi32>
      %add3A_44 = arith.addi %add3A_43, %iota3A : vector<16xi32>
      %scan3A_45 = arith.constant 0 : i32
      %scan3A_46 = arith.constant 16 : i32
      %scan3A_47 = arith.addi %scan3A_45, %scan3A_46 : i32
      %scan3A_48 = arith.constant 1 : i32
      scf.for %scan3A_50 = %scan3A_45 to %scan3A_47 step %scan3A_48  : i32 {
        %add3A_51 = vector.broadcast %scan3A_50 : i32 to vector<16xi32>
        %add3A_52 = arith.addi %iota3A, %add3A_51 : vector<16xi32>
        %rem3A_53 = arith.constant 16 : i32
        %rem3A_54 = vector.broadcast %rem3A_53 : i32 to vector<16xi32>
        %rem3A_55 = arith.remsi %add3A_52, %rem3A_54 : vector<16xi32>
        %add3A_56 = arith.constant 0 : i32
        %add3A_57 = vector.broadcast %add3A_56 : i32 to vector<16xi32>
        %add3A_58 = arith.addi %rem3A_55, %add3A_57 : vector<16xi32>
        %gather3A = tpu.vector_load_idx %arg5[%add3A_44, %add3A_58] : memref<256x128xf32, #tpu.memory_space<vmem>>[vector<16xi32>, vector<16xi32>], vector<16xf32>,
        %gather3A_59 = tpu.vector_load_idx %arg6[%add3A_58, %add3A_44] : memref<64x256xf32, #tpu.memory_space<vmem>>[vector<16xi32>, vector<16xi32>], vector<16xf32>,
        %add3A_60 = arith.addf %gather3A, %gather3A_59 : vector<16xf32>
        tpu.vector_store_idx %arg7[%add3A_58, %add3A_44], %add3A_60 : memref<64x256xf32, #tpu.memory_space<vmem>>[vector<16xi32>, vector<16xi32>], vector<16xf32>,
        %add3A_61 = arith.constant 16 : i32
        %add3A_62 = vector.broadcast %add3A_61 : i32 to vector<16xi32>
        %add3A_63 = arith.addi %rem3A_55, %add3A_62 : vector<16xi32>
        %gather3A_64 = tpu.vector_load_idx %arg5[%add3A_44, %add3A_63] : memref<256x128xf32, #tpu.memory_space<vmem>>[vector<16xi32>, vector<16xi32>], vector<16xf32>,
        %gather3A_65 = tpu.vector_load_idx %arg6[%add3A_63, %add3A_44] : memref<64x256xf32, #tpu.memory_space<vmem>>[vector<16xi32>, vector<16xi32>], vector<16xf32>,
        %add3A_66 = arith.addf %gather3A_64, %gather3A_65 : vector<16xf32>
        tpu.vector_store_idx %arg7[%add3A_63, %add3A_44], %add3A_66 : memref<64x256xf32, #tpu.memory_space<vmem>>[vector<16xi32>, vector<16xi32>], vector<16xf32>,
        %add3A_67 = arith.constant 32 : i32
        %add3A_68 = vector.broadcast %add3A_67 : i32 to vector<16xi32>
        %add3A_69 = arith.addi %rem3A_55, %add3A_68 : vector<16xi32>
        %gather3A_70 = tpu.vector_load_idx %arg5[%add3A_44, %add3A_69] : memref<256x128xf32, #tpu.memory_space<vmem>>[vector<16xi32>, vector<16xi32>], vector<16xf32>,
        %gather3A_71 = tpu.vector_load_idx %arg6[%add3A_69, %add3A_44] : memref<64x256xf32, #tpu.memory_space<vmem>>[vector<16xi32>, vector<16xi32>], vector<16xf32>,
        %add3A_72 = arith.addf %gather3A_70, %gather3A_71 : vector<16xf32>
        tpu.vector_store_idx %arg7[%add3A_69, %add3A_44], %add3A_72 : memref<64x256xf32, #tpu.memory_space<vmem>>[vector<16xi32>, vector<16xi32>], vector<16xf32>,
        %add3A_73 = arith.constant 48 : i32
        %add3A_74 = vector.broadcast %add3A_73 : i32 to vector<16xi32>
        %add3A_75 = arith.addi %rem3A_55, %add3A_74 : vector<16xi32>
        %gather3A_76 = tpu.vector_load_idx %arg5[%add3A_44, %add3A_75] : memref<256x128xf32, #tpu.memory_space<vmem>>[vector<16xi32>, vector<16xi32>], vector<16xf32>,
        %gather3A_77 = tpu.vector_load_idx %arg6[%add3A_75, %add3A_44] : memref<64x256xf32, #tpu.memory_space<vmem>>[vector<16xi32>, vector<16xi32>], vector<16xf32>,
        %add3A_78 = arith.addf %gather3A_76, %gather3A_77 : vector<16xf32>
        tpu.vector_store_idx %arg7[%add3A_75, %add3A_44], %add3A_78 : memref<64x256xf32, #tpu.memory_space<vmem>>[vector<16xi32>, vector<16xi32>], vector<16xf32>,
      }
      %scan3A_49 = arith.constant 16 : i32
    }
    %scan3A_39 = arith.constant 16 : i32
    "tpu.region"() ({
      %run_scoped3A = tpu.sem_alloc : memref<!tpu.dma_semaphore, #tpu.memory_space<semaphore_mem>>
      %dma_start3A = arith.constant 0 : i32
      %dma_start3A_40 = tpu.memref_slice %arg4[%select_n3A, %dma_start3A, %mul3A_32] : memref<4x64x2048xf32, #tpu.memory_space<hbm>> -> memref<1x64x256xf32, #tpu.memory_space<hbm>>
      %dma_start3A_41 = tpu.memref_squeeze %dma_start3A_40 : memref<1x64x256xf32, #tpu.memory_space<hbm>> -> memref<64x256xf32, #tpu.memory_space<hbm>>
      %dma_start3A_42 = arith.constant 0 : i32
      %dma_start3A_43 = tpu.memref_slice %arg4[%select_n3A, %dma_start3A_42, %mul3A_32] : memref<4x64x2048xf32, #tpu.memory_space<hbm>> -> memref<1x64x256xf32, #tpu.memory_space<hbm>>
      %dma_start3A_44 = tpu.memref_squeeze %dma_start3A_43 : memref<1x64x256xf32, #tpu.memory_space<hbm>> -> memref<64x256xf32, #tpu.memory_space<hbm>>
      tpu.enqueue_dma source(%arg7 : memref<64x256xf32, #tpu.memory_space<vmem>>) target(%dma_start3A_44 : memref<64x256xf32, #tpu.memory_space<hbm>>) target_semaphore(%run_scoped3A : memref<!tpu.dma_semaphore, #tpu.memory_space<semaphore_mem>>)
      %dma_wait3A = arith.constant 0 : i32
      %dma_wait3A_45 = tpu.memref_slice %arg4[%select_n3A, %dma_wait3A, %mul3A_32] : memref<4x64x2048xf32, #tpu.memory_space<hbm>> -> memref<1x64x256xf32, #tpu.memory_space<hbm>>
      %dma_wait3A_46 = tpu.memref_squeeze %dma_wait3A_45 : memref<1x64x256xf32, #tpu.memory_space<hbm>> -> memref<64x256xf32, #tpu.memory_space<hbm>>
      %dma_wait3A_47 = arith.constant 0 : i32
      %dma_wait3A_48 = tpu.memref_slice %arg4[%select_n3A, %dma_wait3A_47, %mul3A_32] : memref<4x64x2048xf32, #tpu.memory_space<hbm>> -> memref<1x64x256xf32, #tpu.memory_space<hbm>>
      %dma_wait3A_49 = tpu.memref_squeeze %dma_wait3A_48 : memref<1x64x256xf32, #tpu.memory_space<hbm>> -> memref<64x256xf32, #tpu.memory_space<hbm>>
      tpu.wait_dma2 semaphore(%run_scoped3A : memref<!tpu.dma_semaphore, #tpu.memory_space<semaphore_mem>>) src(%arg7 : memref<64x256xf32, #tpu.memory_space<vmem>>) dst(%dma_wait3A_49 : memref<64x256xf32, #tpu.memory_space<hbm>>)
      tpu.yield
    }) : () -> ()
    return
  }
}

</mosaic_0001>

<sc_bundles>
// kernel: kernel.4.cloned.1.call-start
scs
__scs_entry_jumppad:
0x0: {  	(pc) =	sbr.rel $0x88, $3  }
0x1: {  	(tag) =	ssettag $0x0;
	lr =	simm.s32 $0x1  }
0x2: {  	[smem:$0x3F9E] =	sst lr;
	_ =	strace $0xD0000000  }
0x3: {  	_ = 	snop  }
0x4: {  	_ = 	snop  }
0x5: {  	_ = 	snop  }
0x6: {  	_ = 	snop  }
0x7: {  	_ = 	snop  }
__scs_overlays_trampoline_lowered:
0x8: {  	[smem:$0x3FAD] =	sst s0  }
0x9: {  	[smem:$0x3FAE] =	sst s1  }
0xa: {  	[smem:$0x3FAF] =	sst s2  }
0xb: {  	[smem:$0x3FB0] =	sst s3  }
0xc: {  	[smem:$0x3FB1] =	sst s4  }
0xd: {  	[smem:$0x3FB2] =	sst s5  }
0xe: {  	[smem:$0x3FB3] =	sst s6  }
0xf: {  	[smem:$0x3FB4] =	sst s7  }
0x10: {  	[smem:$0x3FB5] =	sst s8  }
0x11: {  	[smem:$0x3FB6] =	sst s9;
	s0 =	simm.s32 @!p0 $0x0  }
0x12: {  	s1 =	sld [smem:$0x3F9C];
	s0 =	simm.s32 @p0 $0x1  }
0x13: {  	[smem:$0x3FB7] =	sst s0;
	s0 =	simm.s32 @!p1 $0x0  }
0x14: {  	s2 =	sld [smem:$0x3F9B];
	s0 =	simm.s32 @p1 $0x1  }
0x15: {  	[smem:$0x3FB8] =	sst s0;
	s0 =	simm.s32 @!p2 $0x0  }
0x16: {  	s3 =	sld [smem:$0x3FDB];
	s0 =	simm.s32 @p2 $0x1  }
0x17: {  	s4 =	simm.s32 $0x1BF5;
	[smem:$0x3FBA] =	sst s0  }
0x18: {  	s0 =	sld [smem:$0x3F9D];
	_ =	swait.ge [sflag:s4], $0x0  }
0x19: {  	s7 =	sld [smem:$0x3F9E]  }
0x1a: {  	s8 =	sadd.s32 $0xFFFFE003, lr  }
0x1b: {  	s9 =	sadd.s32 $0xFFFFFEF7, lr;
	s5 =	simm.s32 $0xFFFFFFFF;
	p2 =	slt.u32 s8, $0xFFFFF086  }
0x1c: {  	p1 =	slt.u32 s9, $0xF7A;
	s5 =	simm.s32 @!p2 $0x0  }
0x1d: {  	s5 =	simm.s32 @p1 $0x1;
	p0 =	seq.s32 s7, s2  }
0x1e: {  	s7 =	smul.u32 @!p0 $0xF7A, s2;
	p2 =	seq.s32 @!p0 s5, $0x0  }
0x1f: {  	s9 =	smul.u32 $0xF7A, s1;
	s8 =	simm.s32 @!p0 $0x1BF5;
	p2 =	por !p2, p0  }
0x20: {  	[sflag:s8] =	ssyncset.s32 @!p0 $0xFFFFF086;
	s6 =	sadd.s32 @!p0 s3, s7;
	s7 =	simm.s32 @!p0 $0x108  }
0x21: {  	s3 =	sadd.s32 s3, s9;
	s6 =	sadd.s32 @!p0 $0x88, s6;
	s7 =	simm.s32 @p2 $0x1082  }
0x22: {  	[simem:s7], [sflag:s8] =	dma.local @!p0 [hbm:s6], $0xF7A  }
0x23: {  	s9 =	sor.u32 $0xD0000000, s2;
	s6 =	simm.s32 $0x108;
	_ =	swait.ge @!p0 [sflag:s8], $0x0  }
0x24: {  	s3 =	sadd.s32 $0x88, s3;
	s6 =	simm.s32 @!p1 $0x1082;
	[sflag:s4] =	ssyncset.s32 $0xFFFFF086  }
0x25: {  	[simem:s6], [sflag:s4] =	dma.local [hbm:s3], $0xF7A  }
0x26: {  	[smem:$0x3F9E] =	sst s1;
	(tag) =	ssettag s2;
	_ =	strace s9  }
0x27: {  	s1 =	sld [smem:$0x3FAE]  }
0x28: {  	s2 =	sld [smem:$0x3FAF]  }
0x29: {  	s4 =	sld [smem:$0x3FB1]  }
0x2a: {  	p0 =	seq.s32 s5, $0x0;
	s5 =	sld [smem:$0x3FB2]  }
0x2b: {  	s6 =	sld [smem:$0x3FB3]  }
0x2c: {  	s7 =	sld [smem:$0x3FB4]  }
0x2d: {  	s3 =	simm.s32 $0x108;
	s8 =	sld [smem:$0x3FB5]  }
0x2e: {  	s3 =	simm.s32 @!p0 $0x1082;
	s9 =	sld [smem:$0x3FB6]  }
0x2f: {  	lr =	sadd.s32 s0, s3;
	s0 =	sld [smem:$0x3FAD]  }
0x30: {  	s3 =	sld [smem:$0x3FB0]  }
0x31: {  	[smem:$0x3FB9] =	sst s10  }
0x32: {  	s10 =	sld [smem:$0x3FB7];
	_ =	sdelay $0x3  }
0x33: {  	p0 =	seq.s32 s10, $0x1;
	s10 =	sld [smem:$0x3FB9];
	_ =	sdelay $0x3  }
0x34: {  	[smem:$0x3FB9] =	sst s10  }
0x35: {  	s10 =	sld [smem:$0x3FB8];
	_ =	sdelay $0x3  }
0x36: {  	p1 =	seq.s32 s10, $0x1;
	s10 =	sld [smem:$0x3FB9];
	_ =	sdelay $0x3  }
0x37: {  	[smem:$0x3FB9] =	sst s10  }
0x38: {  	s10 =	sld [smem:$0x3FBA]  }
0x39: {  	_ = 	snop;
	(pc) =	sbr.ind lr, $3  }
0x3a: {  	_ = 	snop  }
0x3b: {  	_ = 	snop  }
0x3c: {  	p2 =	seq.s32 s10, $0x1;
	s10 =	sld [smem:$0x3FB9]  }
0x3d: {  	_ =	shalt  }
0x3e: {  	_ =	shalt  }
0x3f: {  	_ =	shalt  }
0x40: {  	_ =	shalt  }
0x41: {  	_ =	shalt  }
0x42: {  	_ =	shalt  }
0x43: {  	_ =	shalt  }
0x44: {  	_ =	shalt  }
0x45: {  	_ =	shalt  }
0x46: {  	_ =	shalt  }
0x47: {  	_ =	shalt  }
0x48: {  	_ =	shalt  }
0x49: {  	_ =	shalt  }
0x4a: {  	_ =	shalt  }
0x4b: {  	_ =	shalt  }
0x4c: {  	_ =	shalt  }
0x4d: {  	_ =	shalt  }
0x4e: {  	_ =	shalt  }
0x4f: {  	_ =	shalt  }
0x50: {  	_ =	shalt  }
0x51: {  	_ =	shalt  }
0x52: {  	_ =	shalt  }
0x53: {  	_ =	shalt  }
0x54: {  	_ =	shalt  }
0x55: {  	_ =	shalt  }
0x56: {  	_ =	shalt  }
0x57: {  	_ =	shalt  }
0x58: {  	_ =	shalt  }
0x59: {  	_ =	shalt  }
0x5a: {  	_ =	shalt  }
0x5b: {  	_ =	shalt  }
0x5c: {  	_ =	shalt  }
0x5d: {  	_ =	shalt  }
0x5e: {  	_ =	shalt  }
0x5f: {  	_ =	shalt  }
0x60: {  	_ =	shalt  }
0x61: {  	_ =	shalt  }
0x62: {  	_ =	shalt  }
0x63: {  	_ =	shalt  }
0x64: {  	_ =	shalt  }
0x65: {  	_ =	shalt  }
0x66: {  	_ =	shalt  }
0x67: {  	_ =	shalt  }
0x68: {  	_ =	shalt  }
0x69: {  	_ =	shalt  }
0x6a: {  	_ =	shalt  }
0x6b: {  	_ =	shalt  }
0x6c: {  	_ =	shalt  }
0x6d: {  	_ =	shalt  }
0x6e: {  	_ =	shalt  }
0x6f: {  	_ =	shalt  }
0x70: {  	_ =	shalt  }
0x71: {  	_ =	shalt  }
0x72: {  	_ =	shalt  }
0x73: {  	_ =	shalt  }
0x74: {  	_ =	shalt  }
0x75: {  	_ =	shalt  }
0x76: {  	_ =	shalt  }
0x77: {  	_ =	shalt  }
0x78: {  	_ =	shalt  }
0x79: {  	_ =	shalt  }
0x7a: {  	_ =	shalt  }
0x7b: {  	_ =	shalt  }
0x7c: {  	_ =	shalt  }
0x7d: {  	_ =	shalt  }
0x7e: {  	_ =	shalt  }
0x7f: {  	_ =	shalt  }
0x80: {  	_ =	shalt  }
0x81: {  	_ =	shalt  }
0x82: {  	_ =	shalt  }
0x83: {  	_ =	shalt  }
0x84: {  	_ =	shalt  }
0x85: {  	_ =	shalt  }
0x86: {  	_ =	shalt  }
0x87: {  	_ =	shalt  }
.Lfunc_end0:
.L_simem_size_0:
called_computation_lowered:
.L_overlay_start_0:
0x88: {  	s2 =	sld [smem:$0x3FD9]  }
0x89: {  	s3 =	sld [smem:$0x3FFE];
	_ =	sdelay $0x1  }
0x8a: {  	s1 =	srdreg.scid  }
0x8b: {  	s0 =	sand.u32 $0x1, s1  }
0x8c: {  	s17 =	sshll.u32 s0, $0xA;
	s2 =	sadd.s32 s3, s2  }
0x8d: {  	s2 =	sadd.s32 s2, s17  }
0x8e: {  	[smem:$0x3FC5] =	sst s2  }
0x8f: {  	_ = 	snop  }
0x90: {  	s2 =	sld [smem:$0x3FC9]  }
0x91: {  	s18 =	sld [smem:$0x3FC8]  }
0x92: {  	s4 =	sld [smem:$0x3FD0];
	(tm) =	ssettm $0x1  }
0x93: {  	s5 =	sld [smem:$0x3FFB];
	_ =	sdelay $0x3  }
0x94: {  	_ =	strace s5  }
0x95: {  	s5 =	sld [smem:$0x3FFC];
	_ =	sdelay $0x3  }
0x96: {  	_ =	strace s5  }
0x97: {  	s5 =	sld [smem:$0x3FFD];
	_ =	sdelay $0x3  }
0x98: {  	_ =	strace s5  }
0x99: {  	_ =	strace $0x8FFFFFFF  }
0x9a: {  	s19 =	sld [smem:$0x3FDB];
	_ =	sdelay $0x1  }
0x9b: {  	s6 =	simm.s32 $_scs_section_size  }
0x9c: {  	s7 =	simm.s32 $_size__tile_overlayer_lowered;
	s8 =	simm.s32 $_tile_overlayer_lowered  }
0x9d: {  	s22 =	simm.s32 $0x1BFF;
	s21 =	sshll.u32 s8, $0x1;
	s5 =	sadd.s32 s6, s19  }
0x9e: {  	s9 =	simm.s32 $0x0;
	s20 =	sshll.u32 s7, $0x1;
	s7 =	sadd.s32 s21, s5  }
0x9f: {  	[timem:s9], [sflag:s22] =	dma.local [hbm:s7], s20  }
0xa0: {  	_ =	swait.ge [sflag:s22], s20  }
0xa1: {  	s6 =	ssub.s32 $0x0, s20;
	[sflag:s22] =	ssyncset.done $0x0  }
0xa2: {  	[sflag:s22] =	ssyncadd.s32 s6;
	_ =	sdelay $0x1  }
0xa3: {  	s23 =	simm.s32 $0x1B8B  }
0xa4: {  	_ =	swait.ge [sflag:s23], $0x1  }
0xa5: {  	[sflag:s23] =	ssyncset.done $0x0  }
0xa6: {  	s25 =	simm.s32 $0x1B8E;
	s24 =	sld [smem:$0x3FFE];
	[sflag:s23] =	ssyncadd.s32 $0xFFFFFFFF  }
0xa7: {  	s26 =	simm.s32 $execute0_lowered;
	[smem:$0x3FD2] =	sst s25  }
0xa8: {  	s7 =	sshll.u32 s26, $0x1;
	_ =	strace $0x80000046;
	[dreg:$0x1] =	wrdreg $0xFFFFFFFF  }
0xa9: {  	s28 =	simm.s32 $_size_execute0_lowered;
	s5 =	sadd.s32 s5, s7;
	[dreg:$0x0] =	wrdreg $0x0  }
0xaa: {  	s7 =	sshll.u32 s28, $0x1;
	[dreg:$0x2] =	wrdreg s5  }
0xab: {  	[dreg:$0x3] =	wrdreg s7  }
0xac: {  	[dreg:$0x4] =	wrdreg $0xC0  }
0xad: {  	_ =	task [dreg:s9], $0x5FFFF  }
0xae: {  	[dreg:$0x1] =	wrdreg $0xFFFFFFFF  }
0xaf: {  	[dreg:$0x0] =	wrdreg $0x60  }
0xb0: {  	[dreg:$0x2] =	wrdreg s2  }
0xb1: {  	[dreg:$0x3] =	wrdreg s18  }
0xb2: {  	[dreg:$0x4] =	wrdreg s4  }
0xb3: {  	[dreg:$0x5] =	wrdreg s24  }
0xb4: {  	[dreg:$0x6] =	wrdreg $0x9  }
0xb5: {  	_ =	task.clear_ibuf [dreg:s9], $0x7FFFF;
	_ =	strace $0x90000046  }
0xb6: {  	s29 =	simm.s32 $0x9;
	_ =	strace $0x80000048  }
0xb7: {  	_ =	swait.ge [sflag:s29], $0x1  }
0xb8: {  	[sflag:s29] =	ssyncadd.s32 $0xFFFFFFFF  }
0xb9: {  	_ =	strace $0x90000048  }
0xba: {  	_ =	sfence  }
0xbb: {  	s30 =	sld [smem:$0x0];
	_ =	sdelay $0x2  }
0xbc: {  	s31 =	sshll.u32 s1, $0xD;
	s1 =	sshrl.u32 s1, $0x2  }
0xbd: {  	s3 =	sand.u32 $0x4000, s31;
	s1 =	sadd.s32 s1, s30  }
0xbe: {  	s0 =	sor.u32 s3, s0;
	s1 =	sshll.u32 s1, $0x11  }
0xbf: {  	s0 =	sor.u32 s1, s0  }
0xc0: {  	s0 =	sadd.s32 $0x8F2B, s0  }
0xc1: {  	[sflag:s0] =	ssyncadd.remote.s32 $0x1  }
0xc2: {  	_ =	sfence.sel $0xFFFF  }
0xc3: {  	[dreg:$0x0] =	wrdreg $0xFFFFFFFF;
	(pc) =	sbr.abs _section_cstart, $3  }
0xc4: {  	[dreg:$0x1] =	wrdreg $0xFFFFFFFF  }
0xc5: {  	_ =	task.clear_ibuf [dreg:s9], $0x2FFFF;
	_ =	strace $0x9FFFFFFF  }
0xc6: {  	(tm) =	ssettm $0x7FFFFFFF  }
0xc7: {  	_ =	shalt  }
tec
execute0_lowered:
.L_overlay_start_1:
0x0: {  	(tag) =	ssettag $0x1  }
0x1: {  	s0 =	rddreg [dreg:$0x1]  }
0x2: {  	s2 =	rddreg [dreg:$0x2]  }
0x3: {  	s1 =	rddreg [dreg:$0x3];
	s4 =	simm.s32 $0x0  }
0x4: {  	s3 =	srdreg.scid;
	s5 =	stileid.u32;
	s10 =	simm.s32 $0x3  }
0x5: {  	s11 =	simm.s32 $0x2000;
	s12 =	simm.s32 $0x4000;
	s13 =	simm.s32 $0x400  }
0x6: {  	s14 =	simm.s32 $0xC3800;
	s15 =	simm.s32 $0x6000;
	s16 =	simm.s32 $0x15000  }
0x7: {  	s17 =	simm.s32 $0x17080;
	s18 =	simm.s32 $0x13000;
	s19 =	simm.s32 $0xB000  }
.Ltmp0:
0x8: {  	s20 =	simm.s32 $0x0;
	s3 =	sand.u32 $0x1, s3;
	(pc) =	sbr.rel .LBB2_1-.Ltmp0, $4  }
0x9: {  	[smem:$0x7FF] =	sst s4;
	s5 =	sshll.u32 s5, $0x1;
	s7 =	ssub.s32 $0x2, s3  }
0xa: {  	s6 =	sadd.s32 $0x800, s1;
	s5 =	sor.u32 s3, s5;
	s31 =	sshrl.u32 s7, $0x1  }
0xb: {  	v1 =	vimm.s32 $0xFFFFFFFF;
	s8 =	sadd.s32 $0x1000, s0;
	s3 =	sshll.u32 s5, $0x7;
	s1 =	ssub.s32 s7, s31  }
0xc: {  	v2 =	vimm.s32 $0x0;
	v3 =	vlaneseq.u32;
	_ =	strace $0x80000047;
	v0 =	vmov s5;
	s7 =	sadd.s32 s0, s3;
	s9 =	smax.u32 s1, $0x1  }
.LBB2_20:
0xd: {  	s0 =	sand.u32 $0x8000007F, s23  }
0xe: {  	s20 =	sadd.s32 $0x1, s20;
	p0 =	slt.s32 s0, $0x1  }
0xf: {  	p1 =	sne.s32 s20, s9;
	s0 =	sshll.u32 @!p0 s23, $0x7;
	s1 =	sand.u32 @!p0 $0xFFFFFF80, s23  }
0x10: {  	(ifvalue) =	ssetifvalue @!p0 $0xFFFFFFFF;
	s3 =	simm.s32 @!p0 $0x80;
	s0 =	sand.u32 @!p0 $0x4000, s0  }
0x11: {  	s1 =	sadd.s32 @!p0 $0x13000, s1;
	(ifvalue) =	ssetifvalue @!p0 $0xFFFFFFFF;
	s0 =	sor.u32 @!p0 $0xB000, s0  }
0x12: {  	[hbm4b:s6+s3] =	stream.indirect.scatter @!p0 [tilespmem:s0], [sflag:$0x1], $0x80, s1, s3, $0x40b8;
	[tilespmem:$0x19100] =	vst v63  }
.Ltmp1:
0x13: {  	_ = 	snop;
	(pc) =	sbr.rel @!p1 .LBB2_21-.Ltmp1, $4  }
0x14: {  	s0 =	simm.s32 @!p0 $0x1  }
0x15: {  	_ =	swait.ge @!p0 [sflag:s0], $0x4000  }
0x16: {  	[sflag:s0] =	ssyncset.done @!p0 $0x0  }
0x17: {  	[sflag:s0] =	ssyncadd.s32 @!p0 $0xFFFFC000  }
.LBB2_1:
0x18: {  	s0 =	rddreg [dreg:$0x0]  }
0x19: {  	[tilespmem:s4], [sflag:$0x3] =	stream.linear.gather [hbm4b:s0+s4], $0x2000, $0x38;
	[tilespmem:$0x19100] =	vst v63  }
0x1a: {  	_ =	swait.ge [sflag:s10], $0x2000  }
0x1b: {  	[sflag:s10] =	ssyncset.done $0x0  }
0x1c: {  	s1 =	simm.s32 $0x200;
	s0 =	simm.s32 $0x0;
	[sflag:s10] =	ssyncadd.s32 $0xFFFFE000  }
.LBB2_2:
0x1d: {  	p0 =	sne.s32 s1, $0x7E00;
	[tilespmem:s0+$0x13070] =	vst v1  }
0x1e: {  	[tilespmem:s0+$0x13000] =	vst v1  }
0x1f: {  	[tilespmem:s0+$0x13010] =	vst v1  }
.Ltmp2:
0x20: {  	[tilespmem:s0+$0x13020] =	vst v1;
	(pc) =	sbr.rel @p0 .LBB2_2-.Ltmp2, $4  }
0x21: {  	[tilespmem:s0+$0x13030] =	vst v1  }
0x22: {  	[tilespmem:s0+$0x13040] =	vst v1  }
0x23: {  	[tilespmem:s0+$0x13050] =	vst v1  }
0x24: {  	[tilespmem:s0+$0x13060] =	vst v1;
	s0 =	sshra.s32 s1, $0x2;
	s1 =	sadd.s32 $0x200, s1  }
0x25: {  	[tilespmem:s0+$0x13070] =	vst v1  }
0x26: {  	[tilespmem:s0+$0x13000] =	vst v1  }
0x27: {  	[tilespmem:s0+$0x13010] =	vst v1  }
0x28: {  	[tilespmem:s0+$0x13020] =	vst v1  }
0x29: {  	[tilespmem:s0+$0x13030] =	vst v1;
	s1 =	simm.s32 $0x0  }
0x2a: {  	[tilespmem:s0+$0x13040] =	vst v1;
	s3 =	sand.u32 $0x1E00, s1;
	s21 =	sand.u32 $0x180, s1  }
0x2b: {  	[tilespmem:s0+$0x13050] =	vst v1;
	s22 =	sand.u32 $0x60, s1;
	s3 =	sor.u32 s21, s3  }
0x2c: {  	[tilespmem:s0+$0x13060] =	vst v1;
	s30 =	sor.u32 s22, s3  }
0x2d: {  	v4 =	vld [tilespmem:s30+$0x0];
	_ =	sdelay $0x4  }
0x2e: {  	v5 =	vshrl.u32 v4, $0x7  }
0x2f: {  	v5 =	vand.u32 $0x1F, v5  }
0x30: {  	vm0 =	veq.s32 v5, v0  }
0x31: {  	v5 =	vsel vm0, $0x1, v2  }
0x32: {  	(xrf0) =	vadd.scan.msk.s32 $0xffff, v5;
	_ =	sdelay $0x2  }
0x33: {  	v5 =	vmov s1  }
0x34: {  	v5 =	vadd.s32 $0xFFFFFFFF, v5  }
0x35: {  	v5 =	vbroadcast v5, $0x0  }
0x36: {  	v6, _, _ =	vpop (xrf0)  }
0x37: {  	v5 =	vadd.s32 v6, v5;
	_ =	sdelay $0x1  }
0x38: {  	(v2sf) =	vpush v6, $0xF;
	_ =	sdelay $0x1  }
0x39: {  	s31 =	simm.s32 $0x10  }
0x3a: {  	s25 =	sand.u32 $0x70, s31;
	[tilespmem:v5+s11+$0x0] =	vst.idx.msk vm0, v4;
	v4 =	vor.u32 s1, v3  }
0x3b: {  	s26 =	sor.u32 s25, s3;
	[tilespmem:v5+s12+$0x0] =	vst.idx.msk vm0, v4  }
0x3c: {  	v4 =	vld [tilespmem:s26+$0x0];
	_ =	sdelay $0x4  }
0x3d: {  	v5 =	vshrl.u32 v4, $0x7  }
0x3e: {  	v5 =	vand.u32 $0x1F, v5  }
0x3f: {  	vm0 =	veq.s32 v5, v0  }
0x40: {  	v5 =	vsel vm0, $0x1, v2  }
0x41: {  	(xrf0) =	vadd.scan.msk.s32 $0xffff, v5  }
0x42: {  	s28 =	spop (v2sf)  }
0x43: {  	s1 =	sadd.s32 $0x0, s28  }
0x44: {  	v5 =	vmov s1  }
0x45: {  	v5 =	vadd.s32 $0xFFFFFFFF, v5  }
0x46: {  	v5 =	vbroadcast v5, $0x0  }
0x47: {  	v6, _, _ =	vpop (xrf0)  }
0x48: {  	v5 =	vadd.s32 v6, v5;
	(v2sf) =	vpush v6, $0xF;
	_ =	sdelay $0x2  }
0x49: {  	s29 =	simm.s32 $0x2;
	s22 =	simm.s32 $0x80  }
0x4a: {  	s21 =	simm.s32 $0x20;
	s3 =	sand.u32 $0x180, s29;
	s23 =	sand.u32 $0x1E00, s22  }
0x4b: {  	s24 =	sand.u32 $0x60, s21;
	s23 =	sor.u32 s3, s23;
	[tilespmem:v5+s11+$0x0] =	vst.idx.msk vm0, v4;
	v4 =	vor.u32 s31, v3  }
0x4c: {  	s30 =	sor.u32 s24, s23;
	[tilespmem:v5+s12+$0x0] =	vst.idx.msk vm0, v4  }
0x4d: {  	v4 =	vld [tilespmem:s30+$0x0];
	_ =	sdelay $0x4  }
0x4e: {  	v5 =	vshrl.u32 v4, $0x7  }
0x4f: {  	s0 =	simm.s32 $0x30;
	v5 =	vand.u32 $0x1F, v5  }
0x50: {  	s31 =	sand.u32 $0x70, s0;
	vm0 =	veq.s32 v5, v0  }
0x51: {  	s3 =	simm.s32 $0x4;
	s23 =	sor.u32 s31, s23;
	v5 =	vsel vm0, $0x1, v2;
	s24 =	spop (v2sf)  }
.LBB2_4:
0x52: {  	p0 =	sne.s32 s3, $0x1FE  }
0x53: {  	(xrf0) =	vadd.scan.msk.s32 $0xffff, v5;
	s1 =	sadd.s32 s1, s24;
	s24 =	smov.u32 s3;
	s3 =	sadd.s32 $0x2, s3  }
0x54: {  	v5 =	vmov s1  }
0x55: {  	v5 =	vadd.s32 $0xFFFFFFFF, v5  }
0x56: {  	v5 =	vbroadcast v5, $0x0;
	_ =	sdelay $0x2  }
0x57: {  	v6, _, _ =	vpop (xrf0)  }
0x58: {  	v5 =	vadd.s32 v6, v5;
	(v2sf) =	vpush v6, $0xF;
	_ =	sdelay $0x4  }
0x59: {  	[tilespmem:v5+s11+$0x0] =	vst.idx.msk vm0, v4;
	v4 =	vor.u32 s21, v3  }
0x5a: {  	[tilespmem:v5+s12+$0x0] =	vst.idx.msk vm0, v4  }
0x5b: {  	v4 =	vld [tilespmem:s23+$0x0];
	_ =	sdelay $0x4  }
0x5c: {  	v5 =	vshrl.u32 v4, $0x7  }
0x5d: {  	v5 =	vand.u32 $0x1F, v5  }
0x5e: {  	vm0 =	veq.s32 v5, v0  }
0x5f: {  	v5 =	vsel vm0, $0x1, v2;
	s23 =	spop (v2sf)  }
0x60: {  	(xrf0) =	vadd.scan.msk.s32 $0xffff, v5;
	_ =	sdelay $0x1  }
0x61: {  	s1 =	sadd.s32 s1, s23  }
0x62: {  	v5 =	vmov s1  }
0x63: {  	v5 =	vadd.s32 $0xFFFFFFFF, v5  }
0x64: {  	v5 =	vbroadcast v5, $0x0  }
0x65: {  	v6, _, _ =	vpop (xrf0)  }
0x66: {  	v5 =	vadd.s32 v6, v5;
	(v2sf) =	vpush v6, $0xF;
	_ =	sdelay $0x2  }
0x67: {  	s22 =	sadd.s32 $0x80, s22;
	s21 =	sadd.s32 $0x20, s21  }
0x68: {  	s24 =	sand.u32 $0x180, s24;
	s25 =	sadd.s32 $0x10, s21;
	s23 =	sand.u32 $0x1E00, s22  }
0x69: {  	s26 =	sand.u32 $0x60, s21;
	s23 =	sor.u32 s24, s23;
	s24 =	sand.u32 $0x70, s25;
	[tilespmem:v5+s11+$0x0] =	vst.idx.msk vm0, v4;
	v4 =	vor.u32 s0, v3  }
0x6a: {  	s26 =	sor.u32 s26, s23;
	s23 =	sor.u32 s24, s23;
	s0 =	smov.u32 s25;
	[tilespmem:v5+s12+$0x0] =	vst.idx.msk vm0, v4  }
0x6b: {  	v4 =	vld [tilespmem:s26+$0x0];
	_ =	sdelay $0x3  }
.Ltmp3:
0x6c: {  	(pc) =	sbr.rel @p0 .LBB2_4-.Ltmp3, $4  }
0x6d: {  	v5 =	vshrl.u32 v4, $0x7  }
0x6e: {  	v5 =	vand.u32 $0x1F, v5  }
0x6f: {  	vm0 =	veq.s32 v5, v0  }
0x70: {  	v5 =	vsel vm0, $0x1, v2;
	s24 =	spop (v2sf)  }
0x71: {  	(xrf0) =	vadd.scan.msk.s32 $0xffff, v5;
	_ =	sdelay $0x1  }
0x72: {  	s1 =	sadd.s32 s1, s24  }
0x73: {  	v5 =	vmov s1  }
0x74: {  	v5 =	vadd.s32 $0xFFFFFFFF, v5  }
0x75: {  	v5 =	vbroadcast v5, $0x0  }
0x76: {  	v6, _, _ =	vpop (xrf0)  }
0x77: {  	v5 =	vadd.s32 v6, v5;
	_ =	sdelay $0x4  }
0x78: {  	[tilespmem:v5+s11+$0x0] =	vst.idx.msk vm0, v4;
	v4 =	vor.u32 s21, v3  }
0x79: {  	[tilespmem:v5+s12+$0x0] =	vst.idx.msk vm0, v4  }
0x7a: {  	v4 =	vld [tilespmem:s23+$0x0];
	_ =	sdelay $0x1  }
0x7b: {  	(v2sf) =	vpush v6, $0xF;
	_ =	sdelay $0x2  }
0x7c: {  	v5 =	vshrl.u32 v4, $0x7  }
0x7d: {  	v5 =	vand.u32 $0x1F, v5  }
0x7e: {  	vm15 =	veq.s32 v5, v0  }
0x7f: {  	v5 =	vsel vm15, $0x1, v2  }
0x80: {  	(xrf0) =	vadd.scan.msk.s32 $0xffff, v5;
	_ =	sdelay $0x5  }
0x81: {  	v5, _, _ =	vpop (xrf0)  }
0x82: {  	(v2sf) =	vpush v5, $0xF  }
0x83: {  	s3 =	spop (v2sf)  }
0x84: {  	s1 =	sadd.s32 s1, s3  }
0x85: {  	v6 =	vmov s1  }
0x86: {  	v6 =	vadd.s32 $0xFFFFFFFF, v6  }
0x87: {  	v6 =	vbroadcast v6, $0x0;
	_ =	sdelay $0x1  }
0x88: {  	v5 =	vadd.s32 v5, v6;
	_ =	sdelay $0x4  }
0x89: {  	[tilespmem:v5+s11+$0x0] =	vst.idx.msk vm15, v4;
	v4 =	vor.u32 s0, v3  }
0x8a: {  	[tilespmem:v5+s12+$0x0] =	vst.idx.msk vm15, v4  }
0x8b: {  	[tilespmem:s15], [sflag:$0x2] =	stream.strided.gather [hbm4b:s7+s13], $0x2000, s14, s13, $0x38;
	[tilespmem:$0x19100] =	vst v63  }
0x8c: {  	s29 =	spop (v2sf)  }
0x8d: {  	s1 =	sadd.s32 s1, s29  }
.Ltmp4:
0x8e: {  	s3 =	sadd.s32 $0xF, s1;
	(pc) =	sbr.rel .LBB2_6-.Ltmp4, $4  }
0x8f: {  	s30 =	sshra.s32 s3, $0x1F  }
0x90: {  	s31 =	sshrl.u32 s30, $0x1C  }
0x91: {  	s22 =	simm.s32 $0x0;
	s0 =	sadd.s32 s31, s3  }
0x92: {  	s23 =	simm.s32 $0x0;
	v4 =	vmov s1;
	p0 =	slt.s32 s3, $0x10;
	s21 =	sshra.s32 s0, $0x4  }
.LBB2_19:
0x93: {  	s22 =	sadd.s32 $0x1, s22  }
0x94: {  	p1 =	sne.s32 s22, $0x19  }
.Ltmp5:
0x95: {  	_ = 	snop;
	(pc) =	sbr.rel @!p1 .LBB2_20-.Ltmp5, $1  }
0x96: {  	_ =	sdelay $0x3  }
.LBB2_6:
0x97: {  	s0 =	sshll.u32 s22, $0x5  }
0x98: {  	s24 =	sor.u32 s5, s0  }
0x99: {  	p1 =	sgt.u32 s24, $0x30C  }
0x9a: {  	p2 =	sne.s32 @p1 s24, $0x30D  }
0x9b: {  	p2 =	por p2, !p1  }
0x9c: {  	s0 =	simm.s32 @!p2 $0x0;
	s1 =	simm.s32 @!p2 $0xA000  }
0x9d: {  	[tilespmem:s1], [sflag:$0x3] =	stream.linear.gather @!p2 [hbm4b:s2+s0], $0x1000, $0x38;
	[tilespmem:$0x19100] =	vst v63  }
0x9e: {  	s0 =	simm.s32 @!p2 $0x3  }
0x9f: {  	p3 =	sgt.u32 @!p1 s24, $0x2EC;
	_ =	swait.ge @!p2 [sflag:s0], $0x1000  }
0xa0: {  	p3 =	por p3, p1;
	[sflag:s0] =	ssyncset.done @!p2 $0x0  }
0xa1: {  	s1 =	sxor.u32 @!p3 $0xFFFFFFFF, s22;
	[sflag:s0] =	ssyncadd.s32 @!p2 $0xFFFFF000;
	s0 =	simm.s32 @!p1 $0x2  }
.Ltmp6:
0xa2: {  	s1 =	sshll.u32 @!p3 s1, $0xD;
	_ =	swait.ge @!p1 [sflag:s0], $0x2000;
	(pc) =	sbr.rel @p0 .LBB2_19-.Ltmp6, $4  }
0xa3: {  	s1 =	sand.u32 @!p3 $0x2000, s1;
	[sflag:s0] =	ssyncset.done @!p1 $0x0  }
0xa4: {  	[sflag:s0] =	ssyncadd.s32 @!p1 $0xFFFFE000;
	s0 =	sadd.s32 @!p3 $0x6000, s1;
	s1 =	sshll.u32 @!p3 s24, $0x7  }
0xa5: {  	s3 =	simm.s32 @!p3 $0x400;
	s25 =	simm.s32 @!p3 $0xC3800;
	s1 =	sadd.s32 @!p3 s1, s8  }
0xa6: {  	[tilespmem:s0], [sflag:$0x2] =	stream.strided.gather @!p3 [hbm4b:s1+s3], $0x2000, s25, s3, $0x38;
	[tilespmem:$0x19100] =	vst v63  }
0xa7: {  	p3 =	sne.s32 s21, $0x1  }
.Ltmp7:
0xa8: {  	_ = 	snop;
	(pc) =	sbr.rel @!p3 .LBB2_8-.Ltmp7, $3  }
0xa9: {  	_ =	sdelay $0x1  }
0xaa: {  	s28 =	simm.s32 $0x2000;
	s26 =	simm.s32 $0x4000;
	s25 =	simm.s32 $0x0  }
0xab: {  	v5 =	vmov s24;
	s0 =	sadd.s32 $0xFFFFFFFF, s21;
	p1 =	por $0x0, $0x0;
	p2 =	por $0x0, $0x0  }
0xac: {  	v6 =	vld [tilespmem:s28+$0x0];
	_ =	sdelay $0x3  }
0xad: {  	p3 =	sne.s32 s0, $0x1  }
.Ltmp8:
0xae: {  	v7 =	vor.u32 s25, v3;
	v8 =	vshrl.u32 v6, $0x7;
	(pc) =	sbr.rel @!p3 .LBB2_10-.Ltmp8, $4  }
0xaf: {  	vm0 =	vlt.s32 v7, v4;
	vm1 =	veq.s32 v8, v5  }
0xb0: {  	vm0 =	vmand vm0, vm1  }
0xb1: {  	v8 =	vmov s25;
	v7 =	vsel vm0, $0x1, v2  }
0xb2: {  	s1 =	sadd.s32 $0xFFFFFFFF, s0;
	p1 =	por $0x1, $0x1;
	(xrf0) =	vadd.scan.msk.s32 $0xffff, v7;
	v7 =	vadd.s32 $0xFFFFFFFF, v8  }
0xb3: {  	_ =	sdelay $0x3  }
0xb4: {  	v7 =	vbroadcast v7, $0x0  }
0xb5: {  	v8, _, _ =	vpop (xrf0)  }
0xb6: {  	(v2sf) =	vpush v8, $0xF;
	v7 =	vadd.s32 v8, v7;
	v8 =	vshra.s32 v6, $0x1F  }
0xb7: {  	v9 =	vld [tilespmem:s26+$0x0];
	v8 =	vshrl.u32 v8, $0x19  }
0xb8: {  	v8 =	vadd.s32 v8, v6  }
0xb9: {  	v8 =	vand.u32 $0xFFFFFF80, v8  }
0xba: {  	v6 =	vsub.s32 v6, v8  }
0xbb: {  	[tilespmem:v7+s16+$0x0] =	vst.idx.msk vm0, v6  }
0xbc: {  	s3 =	simm.s32 $0x2010;
	[tilespmem:v7+s17+$0x0] =	vst.idx.msk vm0, v9  }
0xbd: {  	v6 =	vld [tilespmem:s3+$0x0];
	_ =	sdelay $0x3  }
0xbe: {  	s29 =	simm.s32 $0x10  }
0xbf: {  	v7 =	vor.u32 s29, v3;
	v8 =	vshrl.u32 v6, $0x7  }
0xc0: {  	vm0 =	vlt.s32 v7, v4;
	vm1 =	veq.s32 v8, v5  }
0xc1: {  	vm0 =	vmand vm0, vm1  }
0xc2: {  	p3 =	sne.s32 s1, $0x1;
	v7 =	vsel vm0, $0x1, v2  }
.Ltmp9:
0xc3: {  	(xrf0) =	vadd.scan.msk.s32 $0xffff, v7;
	(pc) =	sbr.rel @!p3 .LBB2_12-.Ltmp9, $4  }
0xc4: {  	s0 =	spop (v2sf)  }
0xc5: {  	s0 =	sadd.s32 $0x0, s0  }
0xc6: {  	v8 =	vmov s0  }
0xc7: {  	s30 =	sadd.s32 $0xFFFFFFFF, s1;
	p2 =	por $0x1, $0x1;
	s1 =	simm.s32 $0x4000;
	v7 =	vadd.s32 $0xFFFFFFFF, v8  }
.LBB2_13:
0xc8: {  	p3 =	sne.s32 s30, $0x1;
	v7 =	vbroadcast v7, $0x0  }
0xc9: {  	v8, _, _ =	vpop (xrf0)  }
0xca: {  	v9 =	vshra.s32 v6, $0x1F;
	s1 =	sadd.s32 $0x10, s1;
	v7 =	vadd.s32 v8, v7;
	(v2sf) =	vpush v8, $0xF  }
0xcb: {  	v9 =	vshrl.u32 v9, $0x19;
	v8 =	vld [tilespmem:s1+$0x0]  }
0xcc: {  	v9 =	vadd.s32 v9, v6  }
0xcd: {  	v9 =	vand.u32 $0xFFFFFF80, v9  }
0xce: {  	v6 =	vsub.s32 v6, v9  }
0xcf: {  	[tilespmem:v7+s16+$0x0] =	vst.idx.msk vm0, v6  }
0xd0: {  	s3 =	sadd.s32 $0x10, s3;
	[tilespmem:v7+s17+$0x0] =	vst.idx.msk vm0, v8  }
0xd1: {  	v6 =	vld [tilespmem:s3+$0x0];
	_ =	sdelay $0x3  }
0xd2: {  	s29 =	sadd.s32 $0x10, s29  }
0xd3: {  	v7 =	vor.u32 s29, v3;
	v8 =	vshrl.u32 v6, $0x7  }
0xd4: {  	vm0 =	vlt.s32 v7, v4;
	vm1 =	veq.s32 v8, v5  }
0xd5: {  	vm0 =	vmand vm0, vm1  }
0xd6: {  	v7 =	vsel vm0, $0x1, v2;
	s31 =	spop (v2sf)  }
.Ltmp10:
0xd7: {  	(xrf0) =	vadd.scan.msk.s32 $0xffff, v7;
	s0 =	sadd.s32 s0, s31;
	(pc) =	sbr.rel @p3 .LBB2_13-.Ltmp10, $3  }
0xd8: {  	_ =	sdelay $0x1  }
0xd9: {  	v7 =	vmov s0  }
0xda: {  	s30 =	sadd.s32 $0xFFFFFFFF, s30;
	v7 =	vadd.s32 $0xFFFFFFFF, v7  }
.LBB2_14:
0xdb: {  	v7 =	vbroadcast @p1 v7, $0x0  }
0xdc: {  	s1 =	sadd.s32 @p2 $0x10, s1;
	s30 =	simm.s32 $0x4000;
	v8, _, _ =	vpop @p1 (xrf0)  }
0xdd: {  	v9 =	vshra.s32 @p1 v6, $0x1F;
	s30 =	smov.u32 @p2 s1;
	v7 =	vadd.s32 @p1 v8, v7  }
0xde: {  	v9 =	vshrl.u32 @p1 v9, $0x19;
	v10 =	vld @p1 [tilespmem:s30+$0x0]  }
0xdf: {  	v9 =	vadd.s32 @p1 v9, v6  }
0xe0: {  	v9 =	vand.u32 @p1 $0xFFFFFF80, v9  }
0xe1: {  	v6 =	vsub.s32 @p1 v6, v9  }
0xe2: {  	s1 =	sadd.s32 @p1 $0x10, s3;
	[tilespmem:v7+s16+$0x0] =	vst.idx.msk @p1 vm0, v6  }
0xe3: {  	s28 =	smov.u32 @p1 s1;
	[tilespmem:v7+s17+$0x0] =	vst.idx.msk @p1 vm0, v10  }
0xe4: {  	v6 =	vld [tilespmem:s28+$0x0];
	_ =	sdelay $0x2  }
0xe5: {  	s3 =	simm.s32 $0x0;
	s1 =	sadd.s32 @p1 $0x10, s29  }
0xe6: {  	s3 =	smov.u32 @p1 s1  }
0xe7: {  	v7 =	vor.u32 s3, v3;
	v62 =	vshrl.u32 v6, $0x7  }
0xe8: {  	vm15 =	vlt.s32 v7, v4;
	vm1 =	veq.s32 v62, v5  }
0xe9: {  	vm0 =	vmand vm15, vm1  }
0xea: {  	v5 =	vsel vm0, $0x1, v2  }
0xeb: {  	(xrf0) =	vadd.scan.msk.s32 $0xffff, v5;
	_ =	sdelay $0x1  }
0xec: {  	(v2sf) =	vpush @p1 v8, $0xF;
	_ =	sdelay $0x3  }
0xed: {  	v5, _, _ =	vpop (xrf0)  }
0xee: {  	(v2sf) =	vpush v5, $0xF;
	_ =	sdelay $0x9  }
0xef: {  	s1 =	spop @p1 (v2sf)  }
0xf0: {  	s0 =	sadd.s32 @p1 s0, s1  }
0xf1: {  	s25 =	smov.u32 @p1 s0  }
0xf2: {  	v7 =	vmov s25  }
0xf3: {  	v7 =	vadd.s32 $0xFFFFFFFF, v7  }
0xf4: {  	v7 =	vbroadcast v7, $0x0;
	s31 =	spop (v2sf)  }
0xf5: {  	s0 =	sadd.s32 @p1 $0x10, s30;
	s25 =	sadd.s32 s25, s31  }
0xf6: {  	s26 =	smov.u32 @p1 s0;
	v5 =	vadd.s32 v5, v7;
	v7 =	vshra.s32 v6, $0x1F;
	s0 =	sadd.s32 $0xF, s25  }
0xf7: {  	v63 =	vld [tilespmem:s26+$0x0];
	v7 =	vshrl.u32 v7, $0x19;
	p1 =	slt.s32 s0, $0x10  }
.Ltmp11:
0xf8: {  	v7 =	vadd.s32 v7, v6;
	(pc) =	sbr.rel @p1 .LBB2_19-.Ltmp11, $4  }
0xf9: {  	v7 =	vand.u32 $0xFFFFFF80, v7  }
0xfa: {  	v6 =	vsub.s32 v6, v7  }
0xfb: {  	[tilespmem:v5+s16+$0x0] =	vst.idx.msk vm0, v6  }
0xfc: {  	[tilespmem:v5+s17+$0x0] =	vst.idx.msk vm0, v63  }
0xfd: {  	s1 =	sshra.s32 s0, $0x1F;
	s3 =	sshll.u32 s22, $0xD  }
0xfe: {  	s29 =	simm.s32 $0x0;
	p1 =	seq.s32 s24, $0x30D;
	s1 =	sshrl.u32 s1, $0x1C  }
0xff: {  	s30 =	smov.u32 s23;
	s31 =	sand.u32 $0x2000, s3;
	s26 =	sadd.s32 s1, s0  }
0x100: {  	v5 =	vmov s25;
	s24 =	simm.s32 $0x0;
	s28 =	sadd.s32 $0x6000, s31;
	s26 =	sshra.s32 s26, $0x4  }
.LBB2_16:
0x101: {  	v8 =	vadd.s32 s30, v3  }
0x102: {  	v7 =	vshra.s32 v8, $0x1F  }
0x103: {  	v6 =	vshrl.u32 v7, $0x19  }
0x104: {  	s23 =	sshll.u32 s24, $0x4;
	v6 =	vadd.s32 v6, v8  }
0x105: {  	v9 =	vshrl.u32 v6, $0x7;
	v6 =	vld [tilespmem:s23+$0x15000]  }
0x106: {  	v13 =	vadd.s32 s29, v3;
	v9 =	vshll.u32 v9, $0x7  }
0x107: {  	v11 =	vor.u32 s23, v3;
	v10 =	vand.u32 $0xFFFFFF80, v8;
	v9 =	vsub.s32 v8, v9  }
0x108: {  	v14 =	vand.u32 $0xF, v13;
	vm0 =	vlt.s32 v11, v5;
	v12 =	vand.u32 $0xFFFFFF80, v9  }
0x109: {  	vm1 =	vlt.s32 @p1 v11, v5;
	v9 =	vand.u32 $0x7F, v9;
	v10 =	vadd.s32 v10, v12  }
0x10a: {  	v12 =	vld [tilespmem:s23+$0x17080];
	v9 =	vor.u32 v9, v10;
	v10 =	vshrl.u32 v7, $0x18;
	v7 =	vshll.u32 v6, $0x7  }
0x10b: {  	v10 =	vadd.s32 v10, v8;
	v15 =	vor.u32 @p1 v7, v14  }
0x10c: {  	v10 =	vshrl.u32 v10, $0x8  }
0x10d: {  	v10 =	vshll.u32 v10, $0x8  }
0x10e: {  	v8 =	vsub.s32 v8, v10  }
0x10f: {  	s31 =	simm.s32 @p1 $0xA000;
	[tilespmem:v9+s18+$0x0] =	vst.idx.msk vm0, v12;
	v8 =	vshll.u32 v8, $0x7  }
0x110: {  	v12 =	vor.u32 @p1 $0x10, v13;
	v9 =	vld.idx.msk @p1 [tilespmem:v15+s31+$0x0], vm1;
	v10 =	vor.u32 @p1 v8, v14  }
0x111: {  	v15 =	vadd.s32 @p1 v7, v12;
	_ =	sdelay $0x2  }
0x112: {  	s0 =	simm.s32 @p1 $0xB000  }
0x113: {  	[tilespmem:v10+s0+$0x0] =	vst.idx.msk @p1 vm1, v9  }
0x114: {  	v12 =	vadd.s32 @p1 v8, v12;
	v9 =	vor.u32 $0x20, v7;
	v15 =	vld.idx.msk @p1 [tilespmem:v15+s31+$0x0], vm1  }
0x115: {  	v16 =	vor.u32 @p1 v9, v14;
	_ =	sdelay $0x3  }
0x116: {  	v10 =	vor.u32 $0x20, v8;
	[tilespmem:v12+s0+$0x0] =	vst.idx.msk @p1 vm1, v15  }
0x117: {  	vm2 =	vlt.s32 @!p1 v11, v5;
	v11 =	vshll.u32 @!p1 v14, $0x7;
	v15 =	vor.u32 @p1 v10, v14;
	v12 =	vld.idx.msk @p1 [tilespmem:v16+s31+$0x0], vm1  }
0x118: {  	v16 =	vadd.s32 @!p1 v6, v11;
	_ =	sdelay $0x3  }
0x119: {  	v11 =	vor.u32 @p1 $0x30, v13;
	[tilespmem:v15+s0+$0x0] =	vst.idx.msk @p1 vm1, v12;
	v15 =	vor.u32 @!p1 $0x10, v13  }
0x11a: {  	v18 =	vor.u32 @!p1 v8, v14;
	v12 =	vadd.s32 @p1 v7, v11;
	v17 =	vld.idx.msk @!p1 [tilespmem:v16+s28+$0x0], vm2;
	v19 =	vshll.u32 @!p1 v15, $0x7  }
0x11b: {  	v19 =	vadd.s32 @!p1 v6, v19;
	_ =	sdelay $0x2  }
0x11c: {  	s3 =	simm.s32 @!p1 $0xB000  }
0x11d: {  	v12 =	vld.idx.msk @p1 [tilespmem:v12+s31+$0x0], vm1;
	[tilespmem:v18+s3+$0x0] =	vst.idx.msk @!p1 vm2, v17  }
0x11e: {  	v15 =	vadd.s32 @!p1 v8, v15;
	v17 =	vld.idx.msk @!p1 [tilespmem:v19+s28+$0x0], vm2  }
0x11f: {  	v16 =	vadd.s32 @!p1 $0x1000, v16;
	_ =	sdelay $0x3  }
0x120: {  	v13 =	vor.u32 @!p1 $0x30, v13;
	[tilespmem:v15+s3+$0x0] =	vst.idx.msk @!p1 vm2, v17  }
0x121: {  	v14 =	vor.u32 @!p1 v10, v14;
	v15 =	vld.idx.msk @!p1 [tilespmem:v16+s28+$0x0], vm2;
	v16 =	vshll.u32 @!p1 v13, $0x7  }
0x122: {  	v16 =	vadd.s32 @!p1 v6, v16;
	_ =	sdelay $0x3  }
0x123: {  	[tilespmem:v14+s3+$0x0] =	vst.idx.msk @!p1 vm2, v15  }
0x124: {  	s1 =	simm.s32 $0x1;
	v14 =	vld.idx.msk @!p1 [tilespmem:v16+s28+$0x0], vm2  }
.LBB2_17:
0x125: {  	v15 =	vadd.s32 s1, v3;
	s1 =	sadd.s32 $0x1, s1;
	v11 =	vpsel p1, v11, v13  }
0x126: {  	v16 =	vand.u32 $0xF, v15;
	p2 =	sne.s32 s1, $0x10;
	v11 =	vadd.s32 v8, v11  }
0x127: {  	v13 =	vor.u32 @p1 v7, v16;
	_ =	sdelay $0x2  }
0x128: {  	v12 =	vpsel p1, v12, v14  }
0x129: {  	[tilespmem:v11+s19+$0x0] =	vst.idx.msk vm0, v12  }
0x12a: {  	v11 =	vld.idx.msk @p1 [tilespmem:v13+s31+$0x0], vm1  }
0x12b: {  	v12 =	vor.u32 @p1 v8, v16;
	v13 =	vor.u32 @p1 $0x10, v15  }
0x12c: {  	v14 =	vadd.s32 @p1 v7, v13;
	_ =	sdelay $0x3  }
0x12d: {  	[tilespmem:v12+s0+$0x0] =	vst.idx.msk @p1 vm1, v11  }
0x12e: {  	v11 =	vld.idx.msk @p1 [tilespmem:v14+s31+$0x0], vm1  }
0x12f: {  	v12 =	vadd.s32 @p1 v8, v13  }
0x130: {  	v13 =	vor.u32 @p1 v9, v16;
	_ =	sdelay $0x3  }
0x131: {  	[tilespmem:v12+s0+$0x0] =	vst.idx.msk @p1 vm1, v11  }
0x132: {  	v11 =	vld.idx.msk @p1 [tilespmem:v13+s31+$0x0], vm1  }
0x133: {  	v12 =	vor.u32 @p1 v10, v16;
	v13 =	vshll.u32 @!p1 v16, $0x7  }
0x134: {  	v13 =	vadd.s32 @!p1 v6, v13;
	_ =	sdelay $0x3  }
0x135: {  	[tilespmem:v12+s0+$0x0] =	vst.idx.msk @p1 vm1, v11  }
0x136: {  	v17 =	vor.u32 @!p1 $0x10, v15;
	v11 =	vor.u32 @p1 $0x30, v15;
	v14 =	vld.idx.msk @!p1 [tilespmem:v13+s28+$0x0], vm2  }
0x137: {  	v18 =	vor.u32 @!p1 v8, v16;
	v19 =	vshll.u32 @!p1 v17, $0x7;
	v12 =	vadd.s32 @p1 v7, v11  }
0x138: {  	v19 =	vadd.s32 @!p1 v6, v19;
	_ =	sdelay $0x3  }
0x139: {  	v12 =	vld.idx.msk @p1 [tilespmem:v12+s31+$0x0], vm1;
	[tilespmem:v18+s3+$0x0] =	vst.idx.msk @!p1 vm2, v14  }
0x13a: {  	v14 =	vld.idx.msk @!p1 [tilespmem:v19+s28+$0x0], vm2  }
0x13b: {  	v17 =	vadd.s32 @!p1 v8, v17  }
0x13c: {  	v13 =	vadd.s32 @!p1 $0x1000, v13;
	_ =	sdelay $0x3  }
0x13d: {  	[tilespmem:v17+s3+$0x0] =	vst.idx.msk @!p1 vm2, v14  }
0x13e: {  	v14 =	vld.idx.msk @!p1 [tilespmem:v13+s28+$0x0], vm2;
	v13 =	vor.u32 @!p1 $0x30, v15  }
0x13f: {  	v15 =	vor.u32 @!p1 v10, v16;
	v16 =	vshll.u32 @!p1 v13, $0x7  }
0x140: {  	v16 =	vadd.s32 @!p1 v6, v16  }
.Ltmp12:
0x141: {  	(pc) =	sbr.rel @p2 .LBB2_17-.Ltmp12, $3  }
0x142: {  	_ =	sdelay $0x1  }
0x143: {  	[tilespmem:v15+s3+$0x0] =	vst.idx.msk @!p1 vm2, v14  }
0x144: {  	v14 =	vld.idx.msk @!p1 [tilespmem:v16+s28+$0x0], vm2  }
0x145: {  	s0 =	ssub.s32 s25, s23  }
0x146: {  	v6 =	vpsel p1, v11, v13;
	p2 =	slt.s32 s0, $0x10  }
0x147: {  	v6 =	vadd.s32 v8, v6;
	s0 =	simm.s32 @!p2 $0x10  }
0x148: {  	s23 =	sadd.s32 s30, s0  }
0x149: {  	s1 =	sshrl.u32 s30, $0x7;
	s0 =	sshrl.u32 s23, $0x7  }
0x14a: {  	s24 =	sadd.s32 $0x1, s24;
	p2 =	sle.u32 s0, s1  }
0x14b: {  	p3 =	sne.s32 s24, s26;
	v7 =	vpsel p1, v12, v14;
	s0 =	sshll.u32 @!p2 s30, $0x7;
	s1 =	sand.u32 @!p2 $0xFFFFFF80, s30  }
0x14c: {  	[tilespmem:v6+s19+$0x0] =	vst.idx.msk vm0, v7;
	(ifvalue) =	ssetifvalue @!p2 $0xFFFFFFFF;
	s3 =	simm.s32 @!p2 $0x80;
	s0 =	sand.u32 @!p2 $0x4000, s0  }
0x14d: {  	s1 =	sadd.s32 @!p2 $0x13000, s1;
	(ifvalue) =	ssetifvalue @!p2 $0xFFFFFFFF;
	s0 =	sor.u32 @!p2 $0xB000, s0  }
0x14e: {  	[hbm4b:s6+s3] =	stream.indirect.scatter @!p2 [tilespmem:s0], [sflag:$0x1], $0x80, s1, s3, $0x40b8;
	[tilespmem:$0x19100] =	vst v63  }
.Ltmp13:
0x14f: {  	_ = 	snop;
	(pc) =	sbr.rel @p3 .LBB2_16-.Ltmp13, $4  }
.Ltmp14:
0x150: {  	s0 =	simm.s32 @!p2 $0x1;
	(pc) =	sbr.rel @!p3 .LBB2_19-.Ltmp14, $4  }
0x151: {  	_ =	swait.ge @!p2 [sflag:s0], $0x4000  }
0x152: {  	[sflag:s0] =	ssyncset.done @!p2 $0x0  }
0x153: {  	s30 =	smov.u32 s23;
	[sflag:s0] =	ssyncadd.s32 @!p2 $0xFFFFC000  }
0x154: {  	_ = 	snop  }
.LBB2_8:
.Ltmp15:
0x155: {  	(pc) =	sbr.rel .LBB2_14-.Ltmp15, $3  }
0x156: {  	_ =	sdelay $0x1  }
0x157: {  	s1 =	simm.s32 $0x4000  }
0x158: {  	s3 =	simm.s32 $0x2000;
	s29 =	simm.s32 $0x0;
	s0 =	simm.s32 $0x0  }
.LBB2_10:
.Ltmp16:
0x159: {  	(pc) =	sbr.rel .LBB2_14-.Ltmp16, $3  }
0x15a: {  	_ =	sdelay $0x1  }
0x15b: {  	s1 =	simm.s32 $0x4000  }
0x15c: {  	s3 =	simm.s32 $0x2000;
	s29 =	simm.s32 $0x0;
	s0 =	simm.s32 $0x0  }
.LBB2_12:
.Ltmp17:
0x15d: {  	(pc) =	sbr.rel .LBB2_14-.Ltmp17, $2  }
0x15e: {  	_ =	sdelay $0x2  }
0x15f: {  	s1 =	simm.s32 $0x4000  }
.LBB2_21:
0x160: {  	_ =	sfence.sel $0x180000  }
0x161: {  	[bflag:$0x0] =	sbarrier.arrive $0xFFFF  }
0x162: {  	_ =	strace $0x90000047  }
0x163: {  	s0 =	stileid.u32;
	[bflag:$0x2] =	sbarrier.arrive $0xFFFF  }
0x164: {  	p0 =	sne.s32 s0, $0x0;
	s0 =	rddreg [dreg:$0x4]  }
0x165: {  	s0 =	sadd.s32 @!p0 $0x100000, s0  }
0x166: {  	[sflag:s0] =	ssyncadd.tile.s32 @!p0 $0x1;
	_ =	shalt  }
.Lfunc_end2:
_tile_overlayer_lowered:
.L_overlay_start_2:
0x167: {  	(tag) =	ssettag $0x2  }
0x168: {  	s0 =	rddreg [dreg:$0x0];
	s2 =	stileid.u32  }
0x169: {  	s1 =	rddreg [dreg:$0x1];
	p0 =	sne.s32 s2, $0x0  }
0x16a: {  	s3 =	rddreg [dreg:$0x2];
	[bflag:$0x3] =	sbarrier.arrive $0xFFFF;
	s2 =	simm.s32 @!p0 $0x1C03  }
0x16b: {  	[timem:s3], [sflag:s2] =	dma.local @!p0 [hbm:s0], s1  }
0x16c: {  	s0 =	simm.s32 @!p0 $0x3  }
0x16d: {  	_ =	swait.ge @!p0 [sflag:s0], s1  }
0x16e: {  	s1 =	ssub.s32 @!p0 $0x0, s1;
	[sflag:s0] =	ssyncset.done @!p0 $0x0  }
0x16f: {  	[sflag:s0] =	ssyncadd.s32 @!p0 s1  }
0x170: {  	[bflag:$0x3] =	sbarrier.arrive $0xFFFF  }
0x171: {  	_ =	shalt  }

// kernel: kernel.7.cloned.1.call-start
scs
__scs_entry_jumppad:
0x0: {  	(pc) =	sbr.rel $0x88, $3  }
0x1: {  	(tag) =	ssettag $0x0;
	lr =	simm.s32 $0x1  }
0x2: {  	[smem:$0x3F9E] =	sst lr;
	_ =	strace $0xD0000000  }
0x3: {  	_ = 	snop  }
0x4: {  	_ = 	snop  }
0x5: {  	_ = 	snop  }
0x6: {  	_ = 	snop  }
0x7: {  	_ = 	snop  }
__scs_overlays_trampoline_lowered:
0x8: {  	[smem:$0x3FAD] =	sst s0  }
0x9: {  	[smem:$0x3FAE] =	sst s1  }
0xa: {  	[smem:$0x3FAF] =	sst s2  }
0xb: {  	[smem:$0x3FB0] =	sst s3  }
0xc: {  	[smem:$0x3FB1] =	sst s4  }
0xd: {  	[smem:$0x3FB2] =	sst s5  }
0xe: {  	[smem:$0x3FB3] =	sst s6  }
0xf: {  	[smem:$0x3FB4] =	sst s7  }
0x10: {  	[smem:$0x3FB5] =	sst s8  }
0x11: {  	[smem:$0x3FB6] =	sst s9;
	s0 =	simm.s32 @!p0 $0x0  }
0x12: {  	s1 =	sld [smem:$0x3F9C];
	s0 =	simm.s32 @p0 $0x1  }
0x13: {  	[smem:$0x3FB7] =	sst s0;
	s0 =	simm.s32 @!p1 $0x0  }
0x14: {  	s2 =	sld [smem:$0x3F9B];
	s0 =	simm.s32 @p1 $0x1  }
0x15: {  	[smem:$0x3FB8] =	sst s0;
	s0 =	simm.s32 @!p2 $0x0  }
0x16: {  	s3 =	sld [smem:$0x3FDB];
	s0 =	simm.s32 @p2 $0x1  }
0x17: {  	s4 =	simm.s32 $0x1BF5;
	[smem:$0x3FBA] =	sst s0  }
0x18: {  	s0 =	sld [smem:$0x3F9D];
	_ =	swait.ge [sflag:s4], $0x0  }
0x19: {  	s7 =	sld [smem:$0x3F9E]  }
0x1a: {  	s8 =	sadd.s32 $0xFFFFE003, lr  }
0x1b: {  	s9 =	sadd.s32 $0xFFFFFEF7, lr;
	s5 =	simm.s32 $0xFFFFFFFF;
	p2 =	slt.u32 s8, $0xFFFFF086  }
0x1c: {  	p1 =	slt.u32 s9, $0xF7A;
	s5 =	simm.s32 @!p2 $0x0  }
0x1d: {  	s5 =	simm.s32 @p1 $0x1;
	p0 =	seq.s32 s7, s2  }
0x1e: {  	s7 =	smul.u32 @!p0 $0xF7A, s2;
	p2 =	seq.s32 @!p0 s5, $0x0  }
0x1f: {  	s9 =	smul.u32 $0xF7A, s1;
	s8 =	simm.s32 @!p0 $0x1BF5;
	p2 =	por !p2, p0  }
0x20: {  	[sflag:s8] =	ssyncset.s32 @!p0 $0xFFFFF086;
	s6 =	sadd.s32 @!p0 s3, s7;
	s7 =	simm.s32 @!p0 $0x108  }
0x21: {  	s3 =	sadd.s32 s3, s9;
	s6 =	sadd.s32 @!p0 $0x88, s6;
	s7 =	simm.s32 @p2 $0x1082  }
0x22: {  	[simem:s7], [sflag:s8] =	dma.local @!p0 [hbm:s6], $0xF7A  }
0x23: {  	s9 =	sor.u32 $0xD0000000, s2;
	s6 =	simm.s32 $0x108;
	_ =	swait.ge @!p0 [sflag:s8], $0x0  }
0x24: {  	s3 =	sadd.s32 $0x88, s3;
	s6 =	simm.s32 @!p1 $0x1082;
	[sflag:s4] =	ssyncset.s32 $0xFFFFF086  }
0x25: {  	[simem:s6], [sflag:s4] =	dma.local [hbm:s3], $0xF7A  }
0x26: {  	[smem:$0x3F9E] =	sst s1;
	(tag) =	ssettag s2;
	_ =	strace s9  }
0x27: {  	s1 =	sld [smem:$0x3FAE]  }
0x28: {  	s2 =	sld [smem:$0x3FAF]  }
0x29: {  	s4 =	sld [smem:$0x3FB1]  }
0x2a: {  	p0 =	seq.s32 s5, $0x0;
	s5 =	sld [smem:$0x3FB2]  }
0x2b: {  	s6 =	sld [smem:$0x3FB3]  }
0x2c: {  	s7 =	sld [smem:$0x3FB4]  }
0x2d: {  	s3 =	simm.s32 $0x108;
	s8 =	sld [smem:$0x3FB5]  }
0x2e: {  	s3 =	simm.s32 @!p0 $0x1082;
	s9 =	sld [smem:$0x3FB6]  }
0x2f: {  	lr =	sadd.s32 s0, s3;
	s0 =	sld [smem:$0x3FAD]  }
0x30: {  	s3 =	sld [smem:$0x3FB0]  }
0x31: {  	[smem:$0x3FB9] =	sst s10  }
0x32: {  	s10 =	sld [smem:$0x3FB7];
	_ =	sdelay $0x3  }
0x33: {  	p0 =	seq.s32 s10, $0x1;
	s10 =	sld [smem:$0x3FB9];
	_ =	sdelay $0x3  }
0x34: {  	[smem:$0x3FB9] =	sst s10  }
0x35: {  	s10 =	sld [smem:$0x3FB8];
	_ =	sdelay $0x3  }
0x36: {  	p1 =	seq.s32 s10, $0x1;
	s10 =	sld [smem:$0x3FB9];
	_ =	sdelay $0x3  }
0x37: {  	[smem:$0x3FB9] =	sst s10  }
0x38: {  	s10 =	sld [smem:$0x3FBA]  }
0x39: {  	_ = 	snop;
	(pc) =	sbr.ind lr, $3  }
0x3a: {  	_ = 	snop  }
0x3b: {  	_ = 	snop  }
0x3c: {  	p2 =	seq.s32 s10, $0x1;
	s10 =	sld [smem:$0x3FB9]  }
0x3d: {  	_ =	shalt  }
0x3e: {  	_ =	shalt  }
0x3f: {  	_ =	shalt  }
0x40: {  	_ =	shalt  }
0x41: {  	_ =	shalt  }
0x42: {  	_ =	shalt  }
0x43: {  	_ =	shalt  }
0x44: {  	_ =	shalt  }
0x45: {  	_ =	shalt  }
0x46: {  	_ =	shalt  }
0x47: {  	_ =	shalt  }
0x48: {  	_ =	shalt  }
0x49: {  	_ =	shalt  }
0x4a: {  	_ =	shalt  }
0x4b: {  	_ =	shalt  }
0x4c: {  	_ =	shalt  }
0x4d: {  	_ =	shalt  }
0x4e: {  	_ =	shalt  }
0x4f: {  	_ =	shalt  }
0x50: {  	_ =	shalt  }
0x51: {  	_ =	shalt  }
0x52: {  	_ =	shalt  }
0x53: {  	_ =	shalt  }
0x54: {  	_ =	shalt  }
0x55: {  	_ =	shalt  }
0x56: {  	_ =	shalt  }
0x57: {  	_ =	shalt  }
0x58: {  	_ =	shalt  }
0x59: {  	_ =	shalt  }
0x5a: {  	_ =	shalt  }
0x5b: {  	_ =	shalt  }
0x5c: {  	_ =	shalt  }
0x5d: {  	_ =	shalt  }
0x5e: {  	_ =	shalt  }
0x5f: {  	_ =	shalt  }
0x60: {  	_ =	shalt  }
0x61: {  	_ =	shalt  }
0x62: {  	_ =	shalt  }
0x63: {  	_ =	shalt  }
0x64: {  	_ =	shalt  }
0x65: {  	_ =	shalt  }
0x66: {  	_ =	shalt  }
0x67: {  	_ =	shalt  }
0x68: {  	_ =	shalt  }
0x69: {  	_ =	shalt  }
0x6a: {  	_ =	shalt  }
0x6b: {  	_ =	shalt  }
0x6c: {  	_ =	shalt  }
0x6d: {  	_ =	shalt  }
0x6e: {  	_ =	shalt  }
0x6f: {  	_ =	shalt  }
0x70: {  	_ =	shalt  }
0x71: {  	_ =	shalt  }
0x72: {  	_ =	shalt  }
0x73: {  	_ =	shalt  }
0x74: {  	_ =	shalt  }
0x75: {  	_ =	shalt  }
0x76: {  	_ =	shalt  }
0x77: {  	_ =	shalt  }
0x78: {  	_ =	shalt  }
0x79: {  	_ =	shalt  }
0x7a: {  	_ =	shalt  }
0x7b: {  	_ =	shalt  }
0x7c: {  	_ =	shalt  }
0x7d: {  	_ =	shalt  }
0x7e: {  	_ =	shalt  }
0x7f: {  	_ =	shalt  }
0x80: {  	_ =	shalt  }
0x81: {  	_ =	shalt  }
0x82: {  	_ =	shalt  }
0x83: {  	_ =	shalt  }
0x84: {  	_ =	shalt  }
0x85: {  	_ =	shalt  }
0x86: {  	_ =	shalt  }
0x87: {  	_ =	shalt  }
.Lfunc_end0:
.L_simem_size_0:
called_computation.1_lowered:
.L_overlay_start_0:
0x88: {  	s2 =	sld [smem:$0x3FD9]  }
0x89: {  	s3 =	sld [smem:$0x3FFE];
	_ =	sdelay $0x1  }
0x8a: {  	s1 =	srdreg.scid  }
0x8b: {  	s0 =	sand.u32 $0x1, s1  }
0x8c: {  	s17 =	sshll.u32 s0, $0xA;
	s2 =	sadd.s32 s3, s2  }
0x8d: {  	s2 =	sadd.s32 s2, s17  }
0x8e: {  	[smem:$0x3FC5] =	sst s2  }
0x8f: {  	_ = 	snop  }
0x90: {  	s2 =	sld [smem:$0x3FC7]  }
0x91: {  	s18 =	sld [smem:$0x3FD0];
	(tm) =	ssettm $0x1  }
0x92: {  	s4 =	sld [smem:$0x3FFB];
	_ =	sdelay $0x3  }
0x93: {  	_ =	strace s4  }
0x94: {  	s4 =	sld [smem:$0x3FFC];
	_ =	sdelay $0x3  }
0x95: {  	_ =	strace s4  }
0x96: {  	s4 =	sld [smem:$0x3FFD];
	_ =	sdelay $0x3  }
0x97: {  	_ =	strace s4  }
0x98: {  	_ =	strace $0x8FFFFFFF  }
0x99: {  	s19 =	sld [smem:$0x3FDB];
	_ =	sdelay $0x1  }
0x9a: {  	s5 =	simm.s32 $_scs_section_size  }
0x9b: {  	s6 =	simm.s32 $_size__tile_overlayer_lowered;
	s7 =	simm.s32 $_tile_overlayer_lowered  }
0x9c: {  	s22 =	simm.s32 $0x1BFF;
	s21 =	sshll.u32 s7, $0x1;
	s4 =	sadd.s32 s5, s19  }
0x9d: {  	s8 =	simm.s32 $0x0;
	s20 =	sshll.u32 s6, $0x1;
	s6 =	sadd.s32 s21, s4  }
0x9e: {  	[timem:s8], [sflag:s22] =	dma.local [hbm:s6], s20  }
0x9f: {  	_ =	swait.ge [sflag:s22], s20  }
0xa0: {  	s5 =	ssub.s32 $0x0, s20;
	[sflag:s22] =	ssyncset.done $0x0  }
0xa1: {  	[sflag:s22] =	ssyncadd.s32 s5;
	_ =	sdelay $0x1  }
0xa2: {  	s23 =	simm.s32 $0x1B8B  }
0xa3: {  	_ =	swait.ge [sflag:s23], $0x1  }
0xa4: {  	[sflag:s23] =	ssyncset.done $0x0  }
0xa5: {  	s25 =	simm.s32 $0x1B8E;
	s24 =	sld [smem:$0x3FFE];
	[sflag:s23] =	ssyncadd.s32 $0xFFFFFFFF  }
0xa6: {  	s26 =	simm.s32 $execute0_lowered;
	[smem:$0x3FD2] =	sst s25  }
0xa7: {  	s6 =	sshll.u32 s26, $0x1;
	_ =	strace $0x80000049;
	[dreg:$0x1] =	wrdreg $0xFFFFFFFF  }
0xa8: {  	s28 =	simm.s32 $_size_execute0_lowered;
	s4 =	sadd.s32 s4, s6;
	[dreg:$0x0] =	wrdreg $0x0  }
0xa9: {  	s6 =	sshll.u32 s28, $0x1;
	[dreg:$0x2] =	wrdreg s4  }
0xaa: {  	[dreg:$0x3] =	wrdreg s6  }
0xab: {  	[dreg:$0x4] =	wrdreg $0xC0  }
0xac: {  	_ =	task [dreg:s8], $0x5FFFF  }
0xad: {  	[dreg:$0x1] =	wrdreg $0xFFFFFFFF  }
0xae: {  	[dreg:$0x0] =	wrdreg $0x60  }
0xaf: {  	[dreg:$0x2] =	wrdreg s24  }
0xb0: {  	[dreg:$0x3] =	wrdreg s2  }
0xb1: {  	[dreg:$0x4] =	wrdreg s18  }
0xb2: {  	[dreg:$0x5] =	wrdreg $0x9  }
0xb3: {  	_ =	task.clear_ibuf [dreg:s8], $0x6FFFF;
	_ =	strace $0x90000049  }
0xb4: {  	s29 =	simm.s32 $0x9;
	_ =	strace $0x8000004B  }
0xb5: {  	_ =	swait.ge [sflag:s29], $0x1  }
0xb6: {  	[sflag:s29] =	ssyncadd.s32 $0xFFFFFFFF  }
0xb7: {  	_ =	strace $0x9000004B  }
0xb8: {  	_ =	sfence  }
0xb9: {  	s30 =	sld [smem:$0x0];
	_ =	sdelay $0x2  }
0xba: {  	s31 =	sshll.u32 s1, $0xD;
	s1 =	sshrl.u32 s1, $0x2  }
0xbb: {  	s3 =	sand.u32 $0x4000, s31;
	s1 =	sadd.s32 s1, s30  }
0xbc: {  	s0 =	sor.u32 s3, s0;
	s1 =	sshll.u32 s1, $0x11  }
0xbd: {  	s0 =	sor.u32 s1, s0  }
0xbe: {  	s0 =	sadd.s32 $0x8F2B, s0  }
0xbf: {  	[sflag:s0] =	ssyncadd.remote.s32 $0x1  }
0xc0: {  	_ =	sfence.sel $0xFFFF  }
0xc1: {  	[dreg:$0x0] =	wrdreg $0xFFFFFFFF;
	(pc) =	sbr.abs _section_cstart, $3  }
0xc2: {  	[dreg:$0x1] =	wrdreg $0xFFFFFFFF  }
0xc3: {  	_ =	task.clear_ibuf [dreg:s8], $0x2FFFF;
	_ =	strace $0x9FFFFFFF  }
0xc4: {  	(tm) =	ssettm $0x7FFFFFFF  }
0xc5: {  	_ =	shalt  }
tec
execute0_lowered:
.L_overlay_start_1:
0x0: {  	(tag) =	ssettag $0x1  }
0x1: {  	s3 =	rddreg [dreg:$0x0]  }
0x2: {  	s4 =	rddreg [dreg:$0x1]  }
0x3: {  	s5 =	rddreg [dreg:$0x2]  }
0x4: {  	s0 =	rddreg [dreg:$0x3];
	s6 =	srdreg.scid  }
0x5: {  	s1 =	stileid.u32;
	s2 =	simm.s32 $0x0;
	s10 =	simm.s32 $0x8000  }
0x6: {  	s11 =	simm.s32 $0xC000;
	s12 =	simm.s32 $0x0;
	s6 =	sand.u32 $0x1, s6  }
0x7: {  	s7 =	sshll.u32 s1, $0x1;
	[smem:$0x7FF] =	sst s2;
	s9 =	sshll.u32 s1, $0xC  }
0x8: {  	s7 =	sor.u32 s6, s7;
	_ =	strace $0x8000004A;
	s6 =	ssub.s32 $0x2, s6  }
0x9: {  	s31 =	sand.u32 $0xC000, s9;
	s9 =	simm.s32 $0x4000;
	s8 =	sshll.u32 s7, $0xC  }
0xa: {  	s30 =	sshrl.u32 s6, $0x1;
	s7 =	sshll.u32 s7, $0x8;
	s5 =	sadd.s32 s5, s31  }
0xb: {  	s3 =	sadd.s32 s8, s3;
	s6 =	ssub.s32 s6, s30;
	s7 =	sand.u32 $0x700, s7  }
0xc: {  	s8 =	simm.s32 $0x800;
	s3 =	sadd.s32 $0x800, s3;
	s4 =	sadd.s32 s4, s7  }
0xd: {  	v0 =	vlaneseq.u32;
	s5 =	sadd.s32 s7, s5;
	s6 =	smax.u32 s6, $0x1;
	s7 =	simm.s32 $0x1  }
.LBB2_1:
0xe: {  	[tilespmem:s2], [sflag:$0x1] =	stream.linear.gather [hbm4b:s3+s2], $0x8000, $0x38;
	[tilespmem:$0x10000] =	vst v63  }
0xf: {  	_ =	swait.ge [sflag:s7], $0x8000  }
0x10: {  	[sflag:s7] =	ssyncset.done $0x0  }
0x11: {  	[sflag:s7] =	ssyncadd.s32 $0xFFFF8000  }
0x12: {  	[tilespmem:s10], [sflag:$0x1] =	stream.strided.gather [hbm4b:s4+s8], $0x4000, s9, s8, $0x38;
	[tilespmem:$0x10000] =	vst v63  }
0x13: {  	_ =	swait.ge [sflag:s7], $0x4000  }
0x14: {  	[sflag:s7] =	ssyncset.done $0x0  }
0x15: {  	s13 =	simm.s32 $0x0;
	[sflag:s7] =	ssyncadd.s32 $0xFFFFC000  }
.LBB2_2:
0x16: {  	s14 =	sshll.u32 s13, $0x4;
	s30 =	simm.s32 $0x0  }
0x17: {  	v1 =	vmov s14;
	v2 =	vor.u32 s14, v0;
	v10 =	vadd.s32 s30, v0  }
0x18: {  	v3 =	vshll.u32 v1, $0x3;
	v1 =	vand.u32 $0x7F, v2;
	v2 =	vshll.u32 v2, $0x7  }
0x19: {  	v4 =	vshll.u32 v10, $0x8;
	v8 =	vand.u32 $0xF, v10;
	v5 =	vand.u32 $0x400, v3  }
0x1a: {  	v6 =	vshll.u32 v10, $0x7;
	v11 =	vand.u32 $0x800, v4;
	v3 =	vor.u32 v1, v5  }
0x1b: {  	v4 =	vor.u32 v2, v8;
	v12 =	vand.u32 $0x380, v6;
	v6 =	vor.u32 v3, v11  }
0x1c: {  	v7 =	vor.u32 v12, v6;
	_ =	sdelay $0x3  }
0x1d: {  	v9 =	vld.idx.msk [tilespmem:v4+s2+$0x0], $0xffff  }
0x1e: {  	v13 =	vld.idx.msk [tilespmem:v7+s10+$0x0], $0xffff;
	_ =	sdelay $0x1  }
0x1f: {  	v6 =	vor.u32 $0x1000, v3;
	v4 =	vor.u32 $0x10, v2  }
0x20: {  	v14 =	vor.u32 v6, v11;
	v15 =	vor.u32 v4, v10  }
0x21: {  	v14 =	vor.u32 v12, v14  }
0x22: {  	v9 =	vadd.f32 v13, v9;
	_ =	sdelay $0x1  }
0x23: {  	[tilespmem:v7+s11+$0x0] =	vst.idx.msk $0xffff, v9  }
0x24: {  	v9 =	vld.idx.msk [tilespmem:v15+s2+$0x0], $0xffff  }
0x25: {  	v13 =	vld.idx.msk [tilespmem:v14+s10+$0x0], $0xffff  }
0x26: {  	v7 =	vor.u32 $0x2000, v5  }
0x27: {  	v5 =	vor.u32 $0x20, v2;
	v15 =	vor.u32 v11, v7  }
0x28: {  	v8 =	vor.u32 v5, v8;
	v15 =	vor.u32 v1, v15  }
0x29: {  	v15 =	vor.u32 v12, v15  }
0x2a: {  	v9 =	vadd.f32 v13, v9;
	_ =	sdelay $0x1  }
0x2b: {  	[tilespmem:v14+s11+$0x0] =	vst.idx.msk $0xffff, v9  }
0x2c: {  	v14 =	vld.idx.msk [tilespmem:v8+s2+$0x0], $0xffff  }
0x2d: {  	v16 =	vld.idx.msk [tilespmem:v15+s10+$0x0], $0xffff;
	_ =	sdelay $0x1  }
0x2e: {  	v9 =	vor.u32 $0x3000, v3;
	v8 =	vor.u32 $0x30, v2  }
0x2f: {  	v11 =	vor.u32 v9, v11;
	v17 =	vor.u32 v8, v10  }
0x30: {  	v13 =	vor.u32 v12, v11  }
0x31: {  	v11 =	vadd.f32 v16, v14;
	_ =	sdelay $0x1  }
0x32: {  	[tilespmem:v15+s11+$0x0] =	vst.idx.msk $0xffff, v11  }
0x33: {  	s31 =	simm.s32 $0x1;
	v15 =	vld.idx.msk [tilespmem:v17+s2+$0x0], $0xffff  }
0x34: {  	v10 =	vadd.s32 s31, v0;
	v16 =	vld.idx.msk [tilespmem:v13+s10+$0x0], $0xffff  }
0x35: {  	v11 =	vshll.u32 v10, $0x8  }
0x36: {  	v12 =	vand.u32 $0xF, v10;
	v18 =	vshll.u32 v10, $0x7;
	v14 =	vand.u32 $0x800, v11  }
0x37: {  	s14 =	simm.s32 $0x2;
	v17 =	vor.u32 v2, v12;
	v11 =	vand.u32 $0x380, v18;
	v18 =	vor.u32 v3, v14  }
.LBB2_3:
0x38: {  	p0 =	sne.s32 s14, $0xF;
	v18 =	vor.u32 v11, v18;
	v19 =	vor.u32 v6, v14;
	v20 =	vor.u32 v14, v7;
	s15 =	smov.u32 s14;
	s14 =	sadd.s32 $0x1, s14  }
0x39: {  	v14 =	vor.u32 v9, v14;
	v15 =	vadd.f32 v16, v15;
	v20 =	vor.u32 v1, v20;
	_ =	sdelay $0x1  }
0x3a: {  	[tilespmem:v13+s11+$0x0] =	vst.idx.msk $0xffff, v15  }
0x3b: {  	v13 =	vld.idx.msk [tilespmem:v17+s2+$0x0], $0xffff  }
0x3c: {  	v15 =	vld.idx.msk [tilespmem:v18+s10+$0x0], $0xffff;
	_ =	sdelay $0x3  }
0x3d: {  	v16 =	vor.u32 v4, v10;
	v17 =	vor.u32 v11, v19;
	_ =	sdelay $0x1  }
0x3e: {  	v13 =	vadd.f32 v15, v13;
	_ =	sdelay $0x1  }
0x3f: {  	[tilespmem:v18+s11+$0x0] =	vst.idx.msk $0xffff, v13  }
0x40: {  	v13 =	vld.idx.msk [tilespmem:v16+s2+$0x0], $0xffff  }
0x41: {  	v15 =	vld.idx.msk [tilespmem:v17+s10+$0x0], $0xffff;
	_ =	sdelay $0x3  }
0x42: {  	v12 =	vor.u32 v5, v12;
	v16 =	vor.u32 v11, v20;
	_ =	sdelay $0x1  }
0x43: {  	v13 =	vadd.f32 v15, v13;
	_ =	sdelay $0x1  }
0x44: {  	[tilespmem:v17+s11+$0x0] =	vst.idx.msk $0xffff, v13  }
0x45: {  	v12 =	vld.idx.msk [tilespmem:v12+s2+$0x0], $0xffff  }
0x46: {  	v15 =	vld.idx.msk [tilespmem:v16+s10+$0x0], $0xffff;
	_ =	sdelay $0x3  }
0x47: {  	v10 =	vor.u32 v8, v10;
	v13 =	vor.u32 v11, v14;
	_ =	sdelay $0x1  }
0x48: {  	v11 =	vadd.f32 v15, v12;
	_ =	sdelay $0x1  }
0x49: {  	[tilespmem:v16+s11+$0x0] =	vst.idx.msk $0xffff, v11  }
0x4a: {  	v15 =	vld.idx.msk [tilespmem:v10+s2+$0x0], $0xffff  }
.Ltmp0:
0x4b: {  	v16 =	vld.idx.msk [tilespmem:v13+s10+$0x0], $0xffff;
	(pc) =	sbr.rel @p0 .LBB2_3-.Ltmp0, $4  }
0x4c: {  	v10 =	vadd.s32 s15, v0  }
0x4d: {  	v12 =	vand.u32 $0xF, v10;
	v11 =	vshll.u32 v10, $0x8;
	v18 =	vshll.u32 v10, $0x7  }
0x4e: {  	v14 =	vand.u32 $0x800, v11  }
0x4f: {  	v17 =	vor.u32 v2, v12;
	v11 =	vand.u32 $0x380, v18;
	v18 =	vor.u32 v3, v14  }
0x50: {  	_ = 	snop  }
0x51: {  	v2 =	vor.u32 v11, v18  }
0x52: {  	v3 =	vadd.f32 v16, v15;
	_ =	sdelay $0x1  }
0x53: {  	[tilespmem:v13+s11+$0x0] =	vst.idx.msk $0xffff, v3  }
0x54: {  	v3 =	vld.idx.msk [tilespmem:v17+s2+$0x0], $0xffff  }
0x55: {  	v13 =	vld.idx.msk [tilespmem:v2+s10+$0x0], $0xffff;
	_ =	sdelay $0x2  }
0x56: {  	v6 =	vor.u32 v6, v14;
	v4 =	vor.u32 v4, v10  }
0x57: {  	v6 =	vor.u32 v11, v6  }
0x58: {  	v3 =	vadd.f32 v13, v3;
	_ =	sdelay $0x1  }
0x59: {  	[tilespmem:v2+s11+$0x0] =	vst.idx.msk $0xffff, v3  }
0x5a: {  	v2 =	vld.idx.msk [tilespmem:v4+s2+$0x0], $0xffff  }
0x5b: {  	v3 =	vld.idx.msk [tilespmem:v6+s10+$0x0], $0xffff;
	_ =	sdelay $0x1  }
0x5c: {  	v60 =	vor.u32 v14, v7  }
0x5d: {  	v61 =	vor.u32 v5, v12;
	v1 =	vor.u32 v1, v60  }
0x5e: {  	v1 =	vor.u32 v11, v1  }
0x5f: {  	v2 =	vadd.f32 v3, v2;
	_ =	sdelay $0x1  }
0x60: {  	[tilespmem:v6+s11+$0x0] =	vst.idx.msk $0xffff, v2  }
0x61: {  	v2 =	vld.idx.msk [tilespmem:v61+s2+$0x0], $0xffff  }
0x62: {  	v3 =	vld.idx.msk [tilespmem:v1+s10+$0x0], $0xffff;
	_ =	sdelay $0x2  }
0x63: {  	v62 =	vor.u32 v9, v14;
	v63 =	vor.u32 v8, v10  }
0x64: {  	v4 =	vor.u32 v11, v62  }
0x65: {  	v2 =	vadd.f32 v3, v2;
	_ =	sdelay $0x1  }
0x66: {  	[tilespmem:v1+s11+$0x0] =	vst.idx.msk $0xffff, v2  }
0x67: {  	v1 =	vld.idx.msk [tilespmem:v63+s2+$0x0], $0xffff  }
0x68: {  	v2 =	vld.idx.msk [tilespmem:v4+s10+$0x0], $0xffff  }
0x69: {  	s13 =	sadd.s32 $0x1, s13  }
0x6a: {  	p0 =	sne.s32 s13, $0x10  }
.Ltmp1:
0x6b: {  	_ = 	snop;
	(pc) =	sbr.rel @p0 .LBB2_2-.Ltmp1, $3  }
0x6c: {  	_ = 	snop  }
0x6d: {  	v1 =	vadd.f32 v2, v1;
	_ =	sdelay $0x1  }
0x6e: {  	[tilespmem:v4+s11+$0x0] =	vst.idx.msk $0xffff, v1  }
0x6f: {  	s12 =	sadd.s32 $0x1, s12  }
0x70: {  	p0 =	sne.s32 s12, s6  }
.Ltmp2:
0x71: {  	_ = 	snop;
	(pc) =	sbr.rel @p0 .LBB2_1-.Ltmp2, $4  }
0x72: {  	[hbm4b:s5+s8] =	stream.strided.scatter [tilespmem:s11], [sflag:$0x1], $0x4000, s9, s8, $0x38;
	[tilespmem:$0x10000] =	vst v63  }
0x73: {  	_ =	swait.ge [sflag:s7], $0x4000  }
0x74: {  	[sflag:s7] =	ssyncset.done $0x0  }
0x75: {  	[sflag:s7] =	ssyncadd.s32 $0xFFFFC000  }
0x76: {  	_ =	sfence.sel $0x180000  }
0x77: {  	[bflag:$0x0] =	sbarrier.arrive $0xFFFF  }
0x78: {  	p0 =	sne.s32 s1, $0x0;
	_ =	strace $0x9000004A  }
0x79: {  	s0 =	sadd.s32 @!p0 $0x100000, s0;
	[bflag:$0x2] =	sbarrier.arrive $0xFFFF  }
0x7a: {  	[sflag:s0] =	ssyncadd.tile.s32 @!p0 $0x1;
	_ =	shalt  }
.Lfunc_end2:
_tile_overlayer_lowered:
.L_overlay_start_2:
0x7b: {  	(tag) =	ssettag $0x2  }
0x7c: {  	s0 =	rddreg [dreg:$0x0];
	s2 =	stileid.u32  }
0x7d: {  	s1 =	rddreg [dreg:$0x1];
	p0 =	sne.s32 s2, $0x0  }
0x7e: {  	s3 =	rddreg [dreg:$0x2];
	[bflag:$0x3] =	sbarrier.arrive $0xFFFF;
	s2 =	simm.s32 @!p0 $0x1C01  }
0x7f: {  	[timem:s3], [sflag:s2] =	dma.local @!p0 [hbm:s0], s1  }
0x80: {  	s0 =	simm.s32 @!p0 $0x1  }
0x81: {  	_ =	swait.ge @!p0 [sflag:s0], s1  }
0x82: {  	s1 =	ssub.s32 @!p0 $0x0, s1;
	[sflag:s0] =	ssyncset.done @!p0 $0x0  }
0x83: {  	[sflag:s0] =	ssyncadd.s32 @!p0 s1  }
0x84: {  	[bflag:$0x3] =	sbarrier.arrive $0xFFFF  }
0x85: {  	_ =	shalt  }

</sc_bundles>
